<compile_context>
chip_gen: v7x
topology: tpu7x:2x2x1
jax: 0.10.2.dev20260603
libtpu: 0.0.44.dev20260713+nightly
codegen_flags: <defaults>
</compile_context>

<pallas_src>
import functools

import jax
import jax.numpy as jnp
from jax import lax
from jax.experimental import pallas as pl
from jax.experimental.pallas import tpu as pltpu
from jax.experimental.pallas import tpu_sc as plsc

BATCH = 4096
MAXLEN = 200
EMBED = 64
HIDDEN = 128
CLASS_NUM = 100

VOCAB = 1000000
_TR = 3072
HALFV = 163 * _TR

_NC = 2
_NS = 16
_NW = _NC * _NS
_EPW = BATCH // _NW
_C0 = 128
_C1 = MAXLEN - _C0


def _repack_body(lo_ref, hi_ref, o_ref):
    r = lax.broadcasted_iota(jnp.int32, (EMBED, EMBED), 0)
    c = lax.broadcasted_iota(jnp.int32, (EMBED, EMBED), 1)
    ident = (r == c).astype(jnp.float32)
    dn = (((0,), (0,)), ((), ()))
    lo_t = lax.dot_general(lo_ref[...], ident, dn,
                           preferred_element_type=jnp.float32)
    hi_t = lax.dot_general(hi_ref[...], ident, dn,
                           preferred_element_type=jnp.float32)
    o_ref[...] = jnp.concatenate([lo_t, hi_t], axis=1)


def _repack_tc(table_t):
    nblk = HALFV // _TR
    return pl.pallas_call(
        _repack_body,
        grid=(nblk,),
        in_specs=[
            pl.BlockSpec((EMBED, _TR), lambda i: (0, i)),
            pl.BlockSpec((EMBED, _TR), lambda i, n=nblk: (0, i + n)),
        ],
        out_specs=pl.BlockSpec((_TR, 128), lambda i: (i, 0)),
        out_shape=jax.ShapeDtypeStruct((HALFV, 128), jnp.float32),
    )(table_t, table_t)


def _pool_sc(pair_idx, half_off, table2):
    mesh = plsc.VectorSubcoreMesh(core_axis_name="c", subcore_axis_name="s")

    @functools.partial(
        pl.kernel,
        out_type=jax.ShapeDtypeStruct((BATCH, EMBED), jnp.float32),
        mesh=mesh,
        scratch_types=[
            pltpu.VMEM((_EPW * MAXLEN,), jnp.int32),
            pltpu.VMEM((_EPW * MAXLEN,), jnp.int32),
            pltpu.VMEM((MAXLEN, 128), jnp.float32),
            pltpu.VMEM((MAXLEN, 128), jnp.float32),
            pltpu.VMEM((_EPW, EMBED), jnp.float32),
            pltpu.SemaphoreType.DMA,
            pltpu.SemaphoreType.DMA,
        ],
        compiler_params=pltpu.CompilerParams(needs_layout_passes=False),
    )
    def k(idx_hbm, hb_hbm, table_hbm, out_hbm,
          idx_v, hb_v, buf0, buf1, out_v, sem0, sem1):
        wid = lax.axis_index("s") * _NC + lax.axis_index("c")
        base = wid * _EPW
        pltpu.sync_copy(idx_hbm.at[pl.ds(base * MAXLEN, _EPW * MAXLEN)], idx_v)
        pltpu.sync_copy(hb_hbm.at[pl.ds(base * MAXLEN, _EPW * MAXLEN)], hb_v)

        bufs = (buf0, buf1)
        sems = (sem0, sem1)
        scale = jnp.float32(1.0 / MAXLEN)
        lanes = lax.iota(jnp.int32, 16)

        def fire(b, s):
            off = pl.multiple_of(b * MAXLEN, 8)
            pltpu.async_copy(
                table_hbm.at[idx_v.at[pl.ds(off, _C0)]],
                bufs[s].at[pl.ds(0, _C0)], sems[s])
            pltpu.async_copy(
                table_hbm.at[idx_v.at[pl.ds(off + _C0, _C1)]],
                bufs[s].at[pl.ds(_C0, _C1)], sems[s])

        def wait(b, s):
            off = pl.multiple_of(b * MAXLEN, 8)
            pltpu.make_async_copy(
                table_hbm.at[idx_v.at[pl.ds(off, _C0)]],
                bufs[s].at[pl.ds(0, _C0)], sems[s]).wait()
            pltpu.make_async_copy(
                table_hbm.at[idx_v.at[pl.ds(off + _C0, _C1)]],
                bufs[s].at[pl.ds(_C0, _C1)], sems[s]).wait()

        fire(0, 0)
        fire(1, 1)

        @pl.loop(0, _EPW // 2)
        def _pair(p):
            for s in range(2):
                b = 2 * p + s
                wait(b, s)
                buf = bufs[s]
                off = b * MAXLEN
                zero = jnp.zeros((16,), jnp.float32)

                def red(r, accs, off=off, buf=buf):
                    a0, a1, a2, a3 = accs
                    h = plsc.load_gather(
                        hb_v, [jnp.broadcast_to(off + r, (16,))])
                    rsplat = jnp.broadcast_to(r, (16,))
                    i0 = h + lanes
                    a0 = a0 + plsc.load_gather(buf, [rsplat, i0])
                    a1 = a1 + plsc.load_gather(buf, [rsplat, i0 + 16])
                    a2 = a2 + plsc.load_gather(buf, [rsplat, i0 + 32])
                    a3 = a3 + plsc.load_gather(buf, [rsplat, i0 + 48])
                    return (a0, a1, a2, a3)

                a0, a1, a2, a3 = lax.fori_loop(0, MAXLEN, red,
                                               (zero, zero, zero, zero))

                @pl.when(b + 2 < _EPW)
                def _():
                    fire(b + 2, s)

                out_v[b, pl.ds(0, 16)] = a0 * scale
                out_v[b, pl.ds(16, 16)] = a1 * scale
                out_v[b, pl.ds(32, 16)] = a2 * scale
                out_v[b, pl.ds(48, 16)] = a3 * scale

        pltpu.sync_copy(out_v, out_hbm.at[pl.ds(base, _EPW)])

    return k(pair_idx, half_off, table2)


def _dense_body(x_ref, w1_ref, b1_ref, w2_ref, b2_ref, o_ref):
    x = x_ref[...]
    h = jnp.maximum(
        jnp.dot(x, w1_ref[...], preferred_element_type=jnp.float32)
        + b1_ref[...], 0.0)
    logits = (jnp.dot(h, w2_ref[...], preferred_element_type=jnp.float32)
              + b2_ref[...])
    m = jnp.max(logits, axis=-1, keepdims=True)
    e = jnp.exp(logits - m)
    o_ref[...] = e / jnp.sum(e, axis=-1, keepdims=True)


def _dense_tc(pooled, W1, b1, W2, b2):
    bm = 512
    grid = (BATCH // bm,)
    return pl.pallas_call(
        _dense_body,
        grid=grid,
        in_specs=[
            pl.BlockSpec((bm, EMBED), lambda i: (i, 0)),
            pl.BlockSpec((EMBED, HIDDEN), lambda i: (0, 0)),
            pl.BlockSpec((1, HIDDEN), lambda i: (0, 0)),
            pl.BlockSpec((HIDDEN, CLASS_NUM), lambda i: (0, 0)),
            pl.BlockSpec((1, CLASS_NUM), lambda i: (0, 0)),
        ],
        out_specs=pl.BlockSpec((bm, CLASS_NUM), lambda i: (i, 0)),
        out_shape=jax.ShapeDtypeStruct((BATCH, CLASS_NUM), jnp.float32),
    )(pooled, W1, b1.reshape(1, HIDDEN), W2, b2.reshape(1, CLASS_NUM))


def kernel(indices, table, W1, b1, W2, b2):
    idx_flat = indices.reshape(-1).astype(jnp.int32)
    hi = idx_flat >= HALFV
    pair_idx = jnp.where(hi, idx_flat - HALFV, idx_flat)
    half_off = jnp.where(hi, 64, 0).astype(jnp.int32)
    table2 = _repack_tc(table.T)
    pooled = _pool_sc(pair_idx, half_off, table2)
    return _dense_tc(pooled, W1, b1, W2, b2)

# --- scband reference (transcript-rebuilt; emitter-appended) ---
"""Pipeline reference for scband-fast-text-41790031790597 (READ-ONLY COPY).

The authoritative reference and input builder live on the scoring server;
editing this copy changes nothing except your own understanding.
"""

import jax, jax.numpy as jnp
import numpy as np

VOCAB = 1000000
EMBED = 64
MAXLEN = 200
BATCH = 4096
HIDDEN = 128
CLASS_NUM = 100


def setup_inputs(seed: int = 0) -> dict:
    key = jax.random.key(seed)
    k_idx, k_tab, k_w1, k_b1, k_w2, k_b2 = jax.random.split(key, 6)
    indices = jax.random.randint(k_idx, (BATCH, MAXLEN), 0, VOCAB, dtype=jnp.int64 if jax.config.jax_enable_x64 else jnp.int32)
    table = jax.random.normal(k_tab, (VOCAB, EMBED), dtype=jnp.float32) * 0.02
    W1 = jax.random.normal(k_w1, (EMBED, HIDDEN), dtype=jnp.float32) * (1.0 / np.sqrt(EMBED))
    b1 = jnp.zeros((HIDDEN,), dtype=jnp.float32)
    W2 = jax.random.normal(k_w2, (HIDDEN, CLASS_NUM), dtype=jnp.float32) * (1.0 / np.sqrt(HIDDEN))
    b2 = jnp.zeros((CLASS_NUM,), dtype=jnp.float32)
    return {"indices": indices, "table": table, "W1": W1, "b1": b1, "W2": W2, "b2": b2}


def reference(indices, table, W1, b1, W2, b2):
    # Embedding lookup: [B, L] -> [B, L, E]
    emb = jnp.take(table, indices, axis=0)
    # GlobalAveragePooling1D over sequence axis
    pooled = jnp.mean(emb, axis=1)
    # Dense(128, relu)
    h = jax.nn.relu(pooled @ W1 + b1)
    # Classifier Dense(class_num, softmax)
    logits = h @ W2 + b2
    out = jax.nn.softmax(logits, axis=-1)
    return out

if __name__ == "__main__":
    import jax
    _d = setup_inputs()
    print(jax.jit(kernel)(*tuple(_d.values())))

</pallas_src>

<mosaic_0001>
#map = affine_map<(d0, d1) -> (0)>
#map1 = affine_map<(d0, d1) -> (0, 0)>
module attributes {stable_mosaic.version = 14 : i64} {
  func.func @k(%arg0: i32, %arg1: i32, %arg2: memref<819200xi32, #tpu.memory_space<hbm>>, %arg3: memref<819200xi32, #tpu.memory_space<hbm>>, %arg4: memref<500736x128xf32, #tpu.memory_space<hbm>>, %arg5: memref<4096x64xf32, #tpu.memory_space<hbm>>, %arg6: memref<25600xi32, #tpu.memory_space<vmem>>, %arg7: memref<25600xi32, #tpu.memory_space<vmem>>, %arg8: memref<200x128xf32, #tpu.memory_space<vmem>>, %arg9: memref<200x128xf32, #tpu.memory_space<vmem>>, %arg10: memref<128x64xf32, #tpu.memory_space<vmem>>, %arg11: memref<!tpu.dma_semaphore, #tpu.memory_space<semaphore_mem>>, %arg12: memref<!tpu.dma_semaphore, #tpu.memory_space<semaphore_mem>>) attributes {dimension_semantics = [#tpu.dimension_semantics<core_parallel>, #tpu.dimension_semantics<subcore_parallel>], iteration_bounds = array<i64: 2, 16>, scalar_prefetch = 0 : i64, scratch_operands = 7 : i64, tpu.core_type = #tpu.core_type<sc_vector_subcore>, window_params = [{transform_indices = #map}, {transform_indices = #map}, {transform_indices = #map1}, {transform_indices = #map1}]} {
    %mul3A = arith.constant 2 : i32
    %mul3A_0 = arith.muli %arg1, %mul3A : i32
    %add3A = arith.addi %mul3A_0, %arg0 : i32
    %mul3A_1 = arith.constant 128 : i32
    %mul3A_2 = arith.muli %add3A, %mul3A_1 : i32
    %mul3A_3 = arith.constant 200 : i32
    %mul3A_4 = arith.muli %mul3A_2, %mul3A_3 : i32
    "tpu.region"() ({
      %run_scoped3A = tpu.sem_alloc : memref<!tpu.dma_semaphore, #tpu.memory_space<semaphore_mem>>
      %dma_start3A_46 = tpu.memref_slice %arg2[%mul3A_4] : memref<819200xi32, #tpu.memory_space<hbm>> -> memref<25600xi32, #tpu.memory_space<hbm>>
      %dma_start3A_47 = tpu.memref_slice %arg2[%mul3A_4] : memref<819200xi32, #tpu.memory_space<hbm>> -> memref<25600xi32, #tpu.memory_space<hbm>>
      tpu.enqueue_dma source(%dma_start3A_47 : memref<25600xi32, #tpu.memory_space<hbm>>) target(%arg6 : memref<25600xi32, #tpu.memory_space<vmem>>) target_semaphore(%run_scoped3A : memref<!tpu.dma_semaphore, #tpu.memory_space<semaphore_mem>>)
      %dma_wait3A = tpu.memref_slice %arg2[%mul3A_4] : memref<819200xi32, #tpu.memory_space<hbm>> -> memref<25600xi32, #tpu.memory_space<hbm>>
      %dma_wait3A_48 = tpu.memref_slice %arg2[%mul3A_4] : memref<819200xi32, #tpu.memory_space<hbm>> -> memref<25600xi32, #tpu.memory_space<hbm>>
      tpu.wait_dma2 semaphore(%run_scoped3A : memref<!tpu.dma_semaphore, #tpu.memory_space<semaphore_mem>>) src(%dma_wait3A_48 : memref<25600xi32, #tpu.memory_space<hbm>>) dst(%arg6 : memref<25600xi32, #tpu.memory_space<vmem>>)
      tpu.yield
    }) : () -> ()
    %mul3A_5 = arith.constant 200 : i32
    %mul3A_6 = arith.muli %mul3A_2, %mul3A_5 : i32
    "tpu.region"() ({
      %run_scoped3A = tpu.sem_alloc : memref<!tpu.dma_semaphore, #tpu.memory_space<semaphore_mem>>
      %dma_start3A_46 = tpu.memref_slice %arg3[%mul3A_6] : memref<819200xi32, #tpu.memory_space<hbm>> -> memref<25600xi32, #tpu.memory_space<hbm>>
      %dma_start3A_47 = tpu.memref_slice %arg3[%mul3A_6] : memref<819200xi32, #tpu.memory_space<hbm>> -> memref<25600xi32, #tpu.memory_space<hbm>>
      tpu.enqueue_dma source(%dma_start3A_47 : memref<25600xi32, #tpu.memory_space<hbm>>) target(%arg7 : memref<25600xi32, #tpu.memory_space<vmem>>) target_semaphore(%run_scoped3A : memref<!tpu.dma_semaphore, #tpu.memory_space<semaphore_mem>>)
      %dma_wait3A = tpu.memref_slice %arg3[%mul3A_6] : memref<819200xi32, #tpu.memory_space<hbm>> -> memref<25600xi32, #tpu.memory_space<hbm>>
      %dma_wait3A_48 = tpu.memref_slice %arg3[%mul3A_6] : memref<819200xi32, #tpu.memory_space<hbm>> -> memref<25600xi32, #tpu.memory_space<hbm>>
      tpu.wait_dma2 semaphore(%run_scoped3A : memref<!tpu.dma_semaphore, #tpu.memory_space<semaphore_mem>>) src(%dma_wait3A_48 : memref<25600xi32, #tpu.memory_space<hbm>>) dst(%arg7 : memref<25600xi32, #tpu.memory_space<vmem>>)
      tpu.yield
    }) : () -> ()
    %iota3A = tpu.iota {dimensions = array<i32: 0>} : vector<16xi32>
    %multiple_of3A = arith.constant 0 : i32
    %multiple_of3A_7 = tpu.assume_multiple %multiple_of3A, 8 : i32
    %dma_start3A = arith.constant 0 : i32
    %dma_start3A_8 = arith.constant 0 : i32
    %dma_start3A_9 = tpu.memref_slice %arg8[%dma_start3A, %dma_start3A_8] : memref<200x128xf32, #tpu.memory_space<vmem>> -> memref<128x128xf32, #tpu.memory_space<vmem>>
    %dma_start3A_10 = tpu.memref_slice %arg6[%multiple_of3A_7] : memref<25600xi32, #tpu.memory_space<vmem>> -> memref<128xi32, #tpu.memory_space<vmem>>
    %dma_start3A_11 = arith.constant 0 : i32
    %dma_start3A_12 = arith.constant 0 : i32
    %dma_start3A_13 = tpu.memref_slice %arg4[%dma_start3A_11, %dma_start3A_12] : memref<500736x128xf32, #tpu.memory_space<hbm>> -> memref<500736x128xf32, #tpu.memory_space<hbm>>
    tpu.enqueue_indirect_dma source(%dma_start3A_13 : memref<500736x128xf32, #tpu.memory_space<hbm>>) target(%dma_start3A_9 : memref<128x128xf32, #tpu.memory_space<vmem>>) offsets(%dma_start3A_10 : memref<128xi32, #tpu.memory_space<vmem>>) semaphore(%arg11 : memref<!tpu.dma_semaphore, #tpu.memory_space<semaphore_mem>>)
    %add3A_14 = arith.constant 128 : i32
    %add3A_15 = arith.addi %multiple_of3A_7, %add3A_14 : i32
    %dma_start3A_16 = arith.constant 128 : i32
    %dma_start3A_17 = arith.constant 0 : i32
    %dma_start3A_18 = tpu.memref_slice %arg8[%dma_start3A_16, %dma_start3A_17] : memref<200x128xf32, #tpu.memory_space<vmem>> -> memref<72x128xf32, #tpu.memory_space<vmem>>
    %dma_start3A_19 = tpu.memref_slice %arg6[%add3A_15] : memref<25600xi32, #tpu.memory_space<vmem>> -> memref<72xi32, #tpu.memory_space<vmem>>
    %dma_start3A_20 = arith.constant 0 : i32
    %dma_start3A_21 = arith.constant 0 : i32
    %dma_start3A_22 = tpu.memref_slice %arg4[%dma_start3A_20, %dma_start3A_21] : memref<500736x128xf32, #tpu.memory_space<hbm>> -> memref<500736x128xf32, #tpu.memory_space<hbm>>
    tpu.enqueue_indirect_dma source(%dma_start3A_22 : memref<500736x128xf32, #tpu.memory_space<hbm>>) target(%dma_start3A_18 : memref<72x128xf32, #tpu.memory_space<vmem>>) offsets(%dma_start3A_19 : memref<72xi32, #tpu.memory_space<vmem>>) semaphore(%arg11 : memref<!tpu.dma_semaphore, #tpu.memory_space<semaphore_mem>>)
    %multiple_of3A_23 = arith.constant 200 : i32
    %multiple_of3A_24 = tpu.assume_multiple %multiple_of3A_23, 8 : i32
    %dma_start3A_25 = arith.constant 0 : i32
    %dma_start3A_26 = arith.constant 0 : i32
    %dma_start3A_27 = tpu.memref_slice %arg9[%dma_start3A_25, %dma_start3A_26] : memref<200x128xf32, #tpu.memory_space<vmem>> -> memref<128x128xf32, #tpu.memory_space<vmem>>
    %dma_start3A_28 = tpu.memref_slice %arg6[%multiple_of3A_24] : memref<25600xi32, #tpu.memory_space<vmem>> -> memref<128xi32, #tpu.memory_space<vmem>>
    %dma_start3A_29 = arith.constant 0 : i32
    %dma_start3A_30 = arith.constant 0 : i32
    %dma_start3A_31 = tpu.memref_slice %arg4[%dma_start3A_29, %dma_start3A_30] : memref<500736x128xf32, #tpu.memory_space<hbm>> -> memref<500736x128xf32, #tpu.memory_space<hbm>>
    tpu.enqueue_indirect_dma source(%dma_start3A_31 : memref<500736x128xf32, #tpu.memory_space<hbm>>) target(%dma_start3A_27 : memref<128x128xf32, #tpu.memory_space<vmem>>) offsets(%dma_start3A_28 : memref<128xi32, #tpu.memory_space<vmem>>) semaphore(%arg12 : memref<!tpu.dma_semaphore, #tpu.memory_space<semaphore_mem>>)
    %add3A_32 = arith.constant 128 : i32
    %add3A_33 = arith.addi %multiple_of3A_24, %add3A_32 : i32
    %dma_start3A_34 = arith.constant 128 : i32
    %dma_start3A_35 = arith.constant 0 : i32
    %dma_start3A_36 = tpu.memref_slice %arg9[%dma_start3A_34, %dma_start3A_35] : memref<200x128xf32, #tpu.memory_space<vmem>> -> memref<72x128xf32, #tpu.memory_space<vmem>>
    %dma_start3A_37 = tpu.memref_slice %arg6[%add3A_33] : memref<25600xi32, #tpu.memory_space<vmem>> -> memref<72xi32, #tpu.memory_space<vmem>>
    %dma_start3A_38 = arith.constant 0 : i32
    %dma_start3A_39 = arith.constant 0 : i32
    %dma_start3A_40 = tpu.memref_slice %arg4[%dma_start3A_38, %dma_start3A_39] : memref<500736x128xf32, #tpu.memory_space<hbm>> -> memref<500736x128xf32, #tpu.memory_space<hbm>>
    tpu.enqueue_indirect_dma source(%dma_start3A_40 : memref<500736x128xf32, #tpu.memory_space<hbm>>) target(%dma_start3A_36 : memref<72x128xf32, #tpu.memory_space<vmem>>) offsets(%dma_start3A_37 : memref<72xi32, #tpu.memory_space<vmem>>) semaphore(%arg12 : memref<!tpu.dma_semaphore, #tpu.memory_space<semaphore_mem>>)
    %scan3A = arith.constant 5.000000e-03 : f32
    %scan3A_41 = arith.constant 0 : i32
    %scan3A_42 = arith.constant 64 : i32
    %scan3A_43 = arith.addi %scan3A_41, %scan3A_42 : i32
    %scan3A_44 = arith.constant 1 : i32
    scf.for %scan3A_46 = %scan3A_41 to %scan3A_43 step %scan3A_44  : i32 {
      %mul3A_47 = arith.constant 1 : i32
      %mul3A_48 = arith.muli %scan3A_46, %mul3A_47 : i32
      %add3A_49 = arith.constant 0 : i32
      %add3A_50 = arith.addi %add3A_49, %mul3A_48 : i32
      %mul3A_51 = arith.constant 2 : i32
      %mul3A_52 = arith.muli %mul3A_51, %add3A_50 : i32
      %add3A_53 = arith.constant 0 : i32
      %add3A_54 = arith.addi %mul3A_52, %add3A_53 : i32
      %mul3A_55 = arith.constant 200 : i32
      %mul3A_56 = arith.muli %add3A_54, %mul3A_55 : i32
      %multiple_of3A_57 = tpu.assume_multiple %mul3A_56, 8 : i32
      %dma_wait3A = arith.constant 0 : i32
      %dma_wait3A_58 = arith.constant 0 : i32
      %dma_wait3A_59 = tpu.memref_slice %arg8[%dma_wait3A, %dma_wait3A_58] : memref<200x128xf32, #tpu.memory_space<vmem>> -> memref<128x128xf32, #tpu.memory_space<vmem>>
      %dma_wait3A_60 = tpu.memref_slice %arg6[%multiple_of3A_57] : memref<25600xi32, #tpu.memory_space<vmem>> -> memref<128xi32, #tpu.memory_space<vmem>>
      %dma_wait3A_61 = arith.constant 0 : i32
      %dma_wait3A_62 = arith.constant 0 : i32
      %dma_wait3A_63 = tpu.memref_slice %arg4[%dma_wait3A_61, %dma_wait3A_62] : memref<500736x128xf32, #tpu.memory_space<hbm>> -> memref<500736x128xf32, #tpu.memory_space<hbm>>
      tpu.wait_indirect_dma semaphore(%arg11 : memref<!tpu.dma_semaphore, #tpu.memory_space<semaphore_mem>>) src(%dma_wait3A_63 : memref<500736x128xf32, #tpu.memory_space<hbm>>) dst(%dma_wait3A_59 : memref<128x128xf32, #tpu.memory_space<vmem>>)
      %add3A_64 = arith.constant 128 : i32
      %add3A_65 = arith.addi %multiple_of3A_57, %add3A_64 : i32
      %dma_wait3A_66 = arith.constant 128 : i32
      %dma_wait3A_67 = arith.constant 0 : i32
      %dma_wait3A_68 = tpu.memref_slice %arg8[%dma_wait3A_66, %dma_wait3A_67] : memref<200x128xf32, #tpu.memory_space<vmem>> -> memref<72x128xf32, #tpu.memory_space<vmem>>
      %dma_wait3A_69 = tpu.memref_slice %arg6[%add3A_65] : memref<25600xi32, #tpu.memory_space<vmem>> -> memref<72xi32, #tpu.memory_space<vmem>>
      %dma_wait3A_70 = arith.constant 0 : i32
      %dma_wait3A_71 = arith.constant 0 : i32
      %dma_wait3A_72 = tpu.memref_slice %arg4[%dma_wait3A_70, %dma_wait3A_71] : memref<500736x128xf32, #tpu.memory_space<hbm>> -> memref<500736x128xf32, #tpu.memory_space<hbm>>
      tpu.wait_indirect_dma semaphore(%arg11 : memref<!tpu.dma_semaphore, #tpu.memory_space<semaphore_mem>>) src(%dma_wait3A_72 : memref<500736x128xf32, #tpu.memory_space<hbm>>) dst(%dma_wait3A_68 : memref<72x128xf32, #tpu.memory_space<vmem>>)
      %mul3A_73 = arith.constant 200 : i32
      %mul3A_74 = arith.muli %add3A_54, %mul3A_73 : i32
      %broadcast_in_dim3A = arith.constant 0.000000e+00 : f32
      %broadcast_in_dim3A_75 = vector.broadcast %broadcast_in_dim3A : f32 to vector<16xf32>
      %scan3A_76 = arith.constant 0 : i32
      %scan3A_77 = arith.constant 200 : i32
      %scan3A_78 = arith.addi %scan3A_76, %scan3A_77 : i32
      %scan3A_79 = arith.constant 1 : i32
      %scan3A_80:4 = scf.for %scan3A_165 = %scan3A_76 to %scan3A_78 step %scan3A_79 iter_args(%scan3A_166 = %broadcast_in_dim3A_75, %scan3A_167 = %broadcast_in_dim3A_75, %scan3A_168 = %broadcast_in_dim3A_75, %scan3A_169 = %broadcast_in_dim3A_75) -> (vector<16xf32>, vector<16xf32>, vector<16xf32>, vector<16xf32>)  : i32 {
        %add3A_170 = arith.addi %mul3A_74, %scan3A_165 : i32
        %broadcast_in_dim3A_171 = vector.broadcast %add3A_170 : i32 to vector<16xi32>
        %gather3A = tpu.vector_load_idx %arg7[%broadcast_in_dim3A_171] : memref<25600xi32, #tpu.memory_space<vmem>>[vector<16xi32>], vector<16xi32>,
        %broadcast_in_dim3A_172 = vector.broadcast %scan3A_165 : i32 to vector<16xi32>
        %add3A_173 = arith.addi %gather3A, %iota3A : vector<16xi32>
        %gather3A_174 = tpu.vector_load_idx %arg8[%broadcast_in_dim3A_172, %add3A_173] : memref<200x128xf32, #tpu.memory_space<vmem>>[vector<16xi32>, vector<16xi32>], vector<16xf32>,
        %add3A_175 = arith.addf %scan3A_166, %gather3A_174 : vector<16xf32>
        %add3A_176 = arith.constant 16 : i32
        %add3A_177 = vector.broadcast %add3A_176 : i32 to vector<16xi32>
        %add3A_178 = arith.addi %add3A_173, %add3A_177 : vector<16xi32>
        %gather3A_179 = tpu.vector_load_idx %arg8[%broadcast_in_dim3A_172, %add3A_178] : memref<200x128xf32, #tpu.memory_space<vmem>>[vector<16xi32>, vector<16xi32>], vector<16xf32>,
        %add3A_180 = arith.addf %scan3A_167, %gather3A_179 : vector<16xf32>
        %add3A_181 = arith.constant 32 : i32
        %add3A_182 = vector.broadcast %add3A_181 : i32 to vector<16xi32>
        %add3A_183 = arith.addi %add3A_173, %add3A_182 : vector<16xi32>
        %gather3A_184 = tpu.vector_load_idx %arg8[%broadcast_in_dim3A_172, %add3A_183] : memref<200x128xf32, #tpu.memory_space<vmem>>[vector<16xi32>, vector<16xi32>], vector<16xf32>,
        %add3A_185 = arith.addf %scan3A_168, %gather3A_184 : vector<16xf32>
        %add3A_186 = arith.constant 48 : i32
        %add3A_187 = vector.broadcast %add3A_186 : i32 to vector<16xi32>
        %add3A_188 = arith.addi %add3A_173, %add3A_187 : vector<16xi32>
        %gather3A_189 = tpu.vector_load_idx %arg8[%broadcast_in_dim3A_172, %add3A_188] : memref<200x128xf32, #tpu.memory_space<vmem>>[vector<16xi32>, vector<16xi32>], vector<16xf32>,
        %add3A_190 = arith.addf %scan3A_169, %gather3A_189 : vector<16xf32>
        scf.yield %add3A_175, %add3A_180, %add3A_185, %add3A_190 : vector<16xf32>, vector<16xf32>, vector<16xf32>, vector<16xf32>
      }
      %scan3A_81 = arith.constant 200 : i32
      %add3A_82 = arith.constant 2 : i32
      %add3A_83 = arith.addi %add3A_54, %add3A_82 : i32
      %lt3A = arith.constant 128 : i32
      %lt3A_84 = arith.cmpi slt, %add3A_83, %lt3A : i32
      %convert_element_type3A = arith.extui %lt3A_84 : i1 to i32
      %cond3A = arith.constant 0 : i32
      %cond3A_85 = arith.cmpi ne, %convert_element_type3A, %cond3A : i32
      scf.if %cond3A_85 {
        %add3A_165 = arith.constant 2 : i32
        %add3A_166 = arith.addi %add3A_54, %add3A_165 : i32
        %mul3A_167 = arith.constant 200 : i32
        %mul3A_168 = arith.muli %add3A_166, %mul3A_167 : i32
        %multiple_of3A_169 = tpu.assume_multiple %mul3A_168, 8 : i32
        %dma_start3A_170 = arith.constant 0 : i32
        %dma_start3A_171 = arith.constant 0 : i32
        %dma_start3A_172 = tpu.memref_slice %arg8[%dma_start3A_170, %dma_start3A_171] : memref<200x128xf32, #tpu.memory_space<vmem>> -> memref<128x128xf32, #tpu.memory_space<vmem>>
        %dma_start3A_173 = tpu.memref_slice %arg6[%multiple_of3A_169] : memref<25600xi32, #tpu.memory_space<vmem>> -> memref<128xi32, #tpu.memory_space<vmem>>
        %dma_start3A_174 = arith.constant 0 : i32
        %dma_start3A_175 = arith.constant 0 : i32
        %dma_start3A_176 = tpu.memref_slice %arg4[%dma_start3A_174, %dma_start3A_175] : memref<500736x128xf32, #tpu.memory_space<hbm>> -> memref<500736x128xf32, #tpu.memory_space<hbm>>
        tpu.enqueue_indirect_dma source(%dma_start3A_176 : memref<500736x128xf32, #tpu.memory_space<hbm>>) target(%dma_start3A_172 : memref<128x128xf32, #tpu.memory_space<vmem>>) offsets(%dma_start3A_173 : memref<128xi32, #tpu.memory_space<vmem>>) semaphore(%arg11 : memref<!tpu.dma_semaphore, #tpu.memory_space<semaphore_mem>>)
        %add3A_177 = arith.constant 128 : i32
        %add3A_178 = arith.addi %multiple_of3A_169, %add3A_177 : i32
        %dma_start3A_179 = arith.constant 128 : i32
        %dma_start3A_180 = arith.constant 0 : i32
        %dma_start3A_181 = tpu.memref_slice %arg8[%dma_start3A_179, %dma_start3A_180] : memref<200x128xf32, #tpu.memory_space<vmem>> -> memref<72x128xf32, #tpu.memory_space<vmem>>
        %dma_start3A_182 = tpu.memref_slice %arg6[%add3A_178] : memref<25600xi32, #tpu.memory_space<vmem>> -> memref<72xi32, #tpu.memory_space<vmem>>
        %dma_start3A_183 = arith.constant 0 : i32
        %dma_start3A_184 = arith.constant 0 : i32
        %dma_start3A_185 = tpu.memref_slice %arg4[%dma_start3A_183, %dma_start3A_184] : memref<500736x128xf32, #tpu.memory_space<hbm>> -> memref<500736x128xf32, #tpu.memory_space<hbm>>
        tpu.enqueue_indirect_dma source(%dma_start3A_185 : memref<500736x128xf32, #tpu.memory_space<hbm>>) target(%dma_start3A_181 : memref<72x128xf32, #tpu.memory_space<vmem>>) offsets(%dma_start3A_182 : memref<72xi32, #tpu.memory_space<vmem>>) semaphore(%arg11 : memref<!tpu.dma_semaphore, #tpu.memory_space<semaphore_mem>>)
      } else {
      }
      %mul3A_86 = vector.broadcast %scan3A : f32 to vector<16xf32>
      %mul3A_87 = arith.mulf %scan3A_80#0, %mul3A_86 : vector<16xf32>
      %swap3A = arith.index_cast %add3A_54 : i32 to index
      %swap3A_88 = arith.constant 0 : index
      %swap3A_89 = tpu.vector_load %arg10[%swap3A, %swap3A_88] {strides = array<i32>} : memref<128x64xf32, #tpu.memory_space<vmem>>, vector<16xf32>,
      tpu.vector_store %arg10[%swap3A, %swap3A_88], %mul3A_87 {strides = array<i32>} : memref<128x64xf32, #tpu.memory_space<vmem>>, vector<16xf32>,
      %mul3A_90 = vector.broadcast %scan3A : f32 to vector<16xf32>
      %mul3A_91 = arith.mulf %scan3A_80#1, %mul3A_90 : vector<16xf32>
      %swap3A_92 = arith.index_cast %add3A_54 : i32 to index
      %swap3A_93 = arith.constant 16 : index
      %swap3A_94 = tpu.vector_load %arg10[%swap3A_92, %swap3A_93] {strides = array<i32>} : memref<128x64xf32, #tpu.memory_space<vmem>>, vector<16xf32>,
      tpu.vector_store %arg10[%swap3A_92, %swap3A_93], %mul3A_91 {strides = array<i32>} : memref<128x64xf32, #tpu.memory_space<vmem>>, vector<16xf32>,
      %mul3A_95 = vector.broadcast %scan3A : f32 to vector<16xf32>
      %mul3A_96 = arith.mulf %scan3A_80#2, %mul3A_95 : vector<16xf32>
      %swap3A_97 = arith.index_cast %add3A_54 : i32 to index
      %swap3A_98 = arith.constant 32 : index
      %swap3A_99 = tpu.vector_load %arg10[%swap3A_97, %swap3A_98] {strides = array<i32>} : memref<128x64xf32, #tpu.memory_space<vmem>>, vector<16xf32>,
      tpu.vector_store %arg10[%swap3A_97, %swap3A_98], %mul3A_96 {strides = array<i32>} : memref<128x64xf32, #tpu.memory_space<vmem>>, vector<16xf32>,
      %mul3A_100 = vector.broadcast %scan3A : f32 to vector<16xf32>
      %mul3A_101 = arith.mulf %scan3A_80#3, %mul3A_100 : vector<16xf32>
      %swap3A_102 = arith.index_cast %add3A_54 : i32 to index
      %swap3A_103 = arith.constant 48 : index
      %swap3A_104 = tpu.vector_load %arg10[%swap3A_102, %swap3A_103] {strides = array<i32>} : memref<128x64xf32, #tpu.memory_space<vmem>>, vector<16xf32>,
      tpu.vector_store %arg10[%swap3A_102, %swap3A_103], %mul3A_101 {strides = array<i32>} : memref<128x64xf32, #tpu.memory_space<vmem>>, vector<16xf32>,
      %mul3A_105 = arith.constant 2 : i32
      %mul3A_106 = arith.muli %mul3A_105, %add3A_50 : i32
      %add3A_107 = arith.constant 1 : i32
      %add3A_108 = arith.addi %mul3A_106, %add3A_107 : i32
      %mul3A_109 = arith.constant 200 : i32
      %mul3A_110 = arith.muli %add3A_108, %mul3A_109 : i32
      %multiple_of3A_111 = tpu.assume_multiple %mul3A_110, 8 : i32
      %dma_wait3A_112 = arith.constant 0 : i32
      %dma_wait3A_113 = arith.constant 0 : i32
      %dma_wait3A_114 = tpu.memref_slice %arg9[%dma_wait3A_112, %dma_wait3A_113] : memref<200x128xf32, #tpu.memory_space<vmem>> -> memref<128x128xf32, #tpu.memory_space<vmem>>
      %dma_wait3A_115 = tpu.memref_slice %arg6[%multiple_of3A_111] : memref<25600xi32, #tpu.memory_space<vmem>> -> memref<128xi32, #tpu.memory_space<vmem>>
      %dma_wait3A_116 = arith.constant 0 : i32
      %dma_wait3A_117 = arith.constant 0 : i32
      %dma_wait3A_118 = tpu.memref_slice %arg4[%dma_wait3A_116, %dma_wait3A_117] : memref<500736x128xf32, #tpu.memory_space<hbm>> -> memref<500736x128xf32, #tpu.memory_space<hbm>>
      tpu.wait_indirect_dma semaphore(%arg12 : memref<!tpu.dma_semaphore, #tpu.memory_space<semaphore_mem>>) src(%dma_wait3A_118 : memref<500736x128xf32, #tpu.memory_space<hbm>>) dst(%dma_wait3A_114 : memref<128x128xf32, #tpu.memory_space<vmem>>)
      %add3A_119 = arith.constant 128 : i32
      %add3A_120 = arith.addi %multiple_of3A_111, %add3A_119 : i32
      %dma_wait3A_121 = arith.constant 128 : i32
      %dma_wait3A_122 = arith.constant 0 : i32
      %dma_wait3A_123 = tpu.memref_slice %arg9[%dma_wait3A_121, %dma_wait3A_122] : memref<200x128xf32, #tpu.memory_space<vmem>> -> memref<72x128xf32, #tpu.memory_space<vmem>>
      %dma_wait3A_124 = tpu.memref_slice %arg6[%add3A_120] : memref<25600xi32, #tpu.memory_space<vmem>> -> memref<72xi32, #tpu.memory_space<vmem>>
      %dma_wait3A_125 = arith.constant 0 : i32
      %dma_wait3A_126 = arith.constant 0 : i32
      %dma_wait3A_127 = tpu.memref_slice %arg4[%dma_wait3A_125, %dma_wait3A_126] : memref<500736x128xf32, #tpu.memory_space<hbm>> -> memref<500736x128xf32, #tpu.memory_space<hbm>>
      tpu.wait_indirect_dma semaphore(%arg12 : memref<!tpu.dma_semaphore, #tpu.memory_space<semaphore_mem>>) src(%dma_wait3A_127 : memref<500736x128xf32, #tpu.memory_space<hbm>>) dst(%dma_wait3A_123 : memref<72x128xf32, #tpu.memory_space<vmem>>)
      %mul3A_128 = arith.constant 200 : i32
      %mul3A_129 = arith.muli %add3A_108, %mul3A_128 : i32
      %broadcast_in_dim3A_130 = arith.constant 0.000000e+00 : f32
      %broadcast_in_dim3A_131 = vector.broadcast %broadcast_in_dim3A_130 : f32 to vector<16xf32>
      %scan3A_132 = arith.constant 0 : i32
      %scan3A_133 = arith.constant 200 : i32
      %scan3A_134 = arith.addi %scan3A_132, %scan3A_133 : i32
      %scan3A_135 = arith.constant 1 : i32
      %scan3A_136:4 = scf.for %scan3A_165 = %scan3A_132 to %scan3A_134 step %scan3A_135 iter_args(%scan3A_166 = %broadcast_in_dim3A_131, %scan3A_167 = %broadcast_in_dim3A_131, %scan3A_168 = %broadcast_in_dim3A_131, %scan3A_169 = %broadcast_in_dim3A_131) -> (vector<16xf32>, vector<16xf32>, vector<16xf32>, vector<16xf32>)  : i32 {
        %add3A_170 = arith.addi %mul3A_129, %scan3A_165 : i32
        %broadcast_in_dim3A_171 = vector.broadcast %add3A_170 : i32 to vector<16xi32>
        %gather3A = tpu.vector_load_idx %arg7[%broadcast_in_dim3A_171] : memref<25600xi32, #tpu.memory_space<vmem>>[vector<16xi32>], vector<16xi32>,
        %broadcast_in_dim3A_172 = vector.broadcast %scan3A_165 : i32 to vector<16xi32>
        %add3A_173 = arith.addi %gather3A, %iota3A : vector<16xi32>
        %gather3A_174 = tpu.vector_load_idx %arg9[%broadcast_in_dim3A_172, %add3A_173] : memref<200x128xf32, #tpu.memory_space<vmem>>[vector<16xi32>, vector<16xi32>], vector<16xf32>,
        %add3A_175 = arith.addf %scan3A_166, %gather3A_174 : vector<16xf32>
        %add3A_176 = arith.constant 16 : i32
        %add3A_177 = vector.broadcast %add3A_176 : i32 to vector<16xi32>
        %add3A_178 = arith.addi %add3A_173, %add3A_177 : vector<16xi32>
        %gather3A_179 = tpu.vector_load_idx %arg9[%broadcast_in_dim3A_172, %add3A_178] : memref<200x128xf32, #tpu.memory_space<vmem>>[vector<16xi32>, vector<16xi32>], vector<16xf32>,
        %add3A_180 = arith.addf %scan3A_167, %gather3A_179 : vector<16xf32>
        %add3A_181 = arith.constant 32 : i32
        %add3A_182 = vector.broadcast %add3A_181 : i32 to vector<16xi32>
        %add3A_183 = arith.addi %add3A_173, %add3A_182 : vector<16xi32>
        %gather3A_184 = tpu.vector_load_idx %arg9[%broadcast_in_dim3A_172, %add3A_183] : memref<200x128xf32, #tpu.memory_space<vmem>>[vector<16xi32>, vector<16xi32>], vector<16xf32>,
        %add3A_185 = arith.addf %scan3A_168, %gather3A_184 : vector<16xf32>
        %add3A_186 = arith.constant 48 : i32
        %add3A_187 = vector.broadcast %add3A_186 : i32 to vector<16xi32>
        %add3A_188 = arith.addi %add3A_173, %add3A_187 : vector<16xi32>
        %gather3A_189 = tpu.vector_load_idx %arg9[%broadcast_in_dim3A_172, %add3A_188] : memref<200x128xf32, #tpu.memory_space<vmem>>[vector<16xi32>, vector<16xi32>], vector<16xf32>,
        %add3A_190 = arith.addf %scan3A_169, %gather3A_189 : vector<16xf32>
        scf.yield %add3A_175, %add3A_180, %add3A_185, %add3A_190 : vector<16xf32>, vector<16xf32>, vector<16xf32>, vector<16xf32>
      }
      %scan3A_137 = arith.constant 200 : i32
      %add3A_138 = arith.constant 2 : i32
      %add3A_139 = arith.addi %add3A_108, %add3A_138 : i32
      %lt3A_140 = arith.constant 128 : i32
      %lt3A_141 = arith.cmpi slt, %add3A_139, %lt3A_140 : i32
      %convert_element_type3A_142 = arith.extui %lt3A_141 : i1 to i32
      %cond3A_143 = arith.constant 0 : i32
      %cond3A_144 = arith.cmpi ne, %convert_element_type3A_142, %cond3A_143 : i32
      scf.if %cond3A_144 {
        %add3A_165 = arith.constant 2 : i32
        %add3A_166 = arith.addi %add3A_108, %add3A_165 : i32
        %mul3A_167 = arith.constant 200 : i32
        %mul3A_168 = arith.muli %add3A_166, %mul3A_167 : i32
        %multiple_of3A_169 = tpu.assume_multiple %mul3A_168, 8 : i32
        %dma_start3A_170 = arith.constant 0 : i32
        %dma_start3A_171 = arith.constant 0 : i32
        %dma_start3A_172 = tpu.memref_slice %arg9[%dma_start3A_170, %dma_start3A_171] : memref<200x128xf32, #tpu.memory_space<vmem>> -> memref<128x128xf32, #tpu.memory_space<vmem>>
        %dma_start3A_173 = tpu.memref_slice %arg6[%multiple_of3A_169] : memref<25600xi32, #tpu.memory_space<vmem>> -> memref<128xi32, #tpu.memory_space<vmem>>
        %dma_start3A_174 = arith.constant 0 : i32
        %dma_start3A_175 = arith.constant 0 : i32
        %dma_start3A_176 = tpu.memref_slice %arg4[%dma_start3A_174, %dma_start3A_175] : memref<500736x128xf32, #tpu.memory_space<hbm>> -> memref<500736x128xf32, #tpu.memory_space<hbm>>
        tpu.enqueue_indirect_dma source(%dma_start3A_176 : memref<500736x128xf32, #tpu.memory_space<hbm>>) target(%dma_start3A_172 : memref<128x128xf32, #tpu.memory_space<vmem>>) offsets(%dma_start3A_173 : memref<128xi32, #tpu.memory_space<vmem>>) semaphore(%arg12 : memref<!tpu.dma_semaphore, #tpu.memory_space<semaphore_mem>>)
        %add3A_177 = arith.constant 128 : i32
        %add3A_178 = arith.addi %multiple_of3A_169, %add3A_177 : i32
        %dma_start3A_179 = arith.constant 128 : i32
        %dma_start3A_180 = arith.constant 0 : i32
        %dma_start3A_181 = tpu.memref_slice %arg9[%dma_start3A_179, %dma_start3A_180] : memref<200x128xf32, #tpu.memory_space<vmem>> -> memref<72x128xf32, #tpu.memory_space<vmem>>
        %dma_start3A_182 = tpu.memref_slice %arg6[%add3A_178] : memref<25600xi32, #tpu.memory_space<vmem>> -> memref<72xi32, #tpu.memory_space<vmem>>
        %dma_start3A_183 = arith.constant 0 : i32
        %dma_start3A_184 = arith.constant 0 : i32
        %dma_start3A_185 = tpu.memref_slice %arg4[%dma_start3A_183, %dma_start3A_184] : memref<500736x128xf32, #tpu.memory_space<hbm>> -> memref<500736x128xf32, #tpu.memory_space<hbm>>
        tpu.enqueue_indirect_dma source(%dma_start3A_185 : memref<500736x128xf32, #tpu.memory_space<hbm>>) target(%dma_start3A_181 : memref<72x128xf32, #tpu.memory_space<vmem>>) offsets(%dma_start3A_182 : memref<72xi32, #tpu.memory_space<vmem>>) semaphore(%arg12 : memref<!tpu.dma_semaphore, #tpu.memory_space<semaphore_mem>>)
      } else {
      }
      %mul3A_145 = vector.broadcast %scan3A : f32 to vector<16xf32>
      %mul3A_146 = arith.mulf %scan3A_136#0, %mul3A_145 : vector<16xf32>
      %swap3A_147 = arith.index_cast %add3A_108 : i32 to index
      %swap3A_148 = arith.constant 0 : index
      %swap3A_149 = tpu.vector_load %arg10[%swap3A_147, %swap3A_148] {strides = array<i32>} : memref<128x64xf32, #tpu.memory_space<vmem>>, vector<16xf32>,
      tpu.vector_store %arg10[%swap3A_147, %swap3A_148], %mul3A_146 {strides = array<i32>} : memref<128x64xf32, #tpu.memory_space<vmem>>, vector<16xf32>,
      %mul3A_150 = vector.broadcast %scan3A : f32 to vector<16xf32>
      %mul3A_151 = arith.mulf %scan3A_136#1, %mul3A_150 : vector<16xf32>
      %swap3A_152 = arith.index_cast %add3A_108 : i32 to index
      %swap3A_153 = arith.constant 16 : index
      %swap3A_154 = tpu.vector_load %arg10[%swap3A_152, %swap3A_153] {strides = array<i32>} : memref<128x64xf32, #tpu.memory_space<vmem>>, vector<16xf32>,
      tpu.vector_store %arg10[%swap3A_152, %swap3A_153], %mul3A_151 {strides = array<i32>} : memref<128x64xf32, #tpu.memory_space<vmem>>, vector<16xf32>,
      %mul3A_155 = vector.broadcast %scan3A : f32 to vector<16xf32>
      %mul3A_156 = arith.mulf %scan3A_136#2, %mul3A_155 : vector<16xf32>
      %swap3A_157 = arith.index_cast %add3A_108 : i32 to index
      %swap3A_158 = arith.constant 32 : index
      %swap3A_159 = tpu.vector_load %arg10[%swap3A_157, %swap3A_158] {strides = array<i32>} : memref<128x64xf32, #tpu.memory_space<vmem>>, vector<16xf32>,
      tpu.vector_store %arg10[%swap3A_157, %swap3A_158], %mul3A_156 {strides = array<i32>} : memref<128x64xf32, #tpu.memory_space<vmem>>, vector<16xf32>,
      %mul3A_160 = vector.broadcast %scan3A : f32 to vector<16xf32>
      %mul3A_161 = arith.mulf %scan3A_136#3, %mul3A_160 : vector<16xf32>
      %swap3A_162 = arith.index_cast %add3A_108 : i32 to index
      %swap3A_163 = arith.constant 48 : index
      %swap3A_164 = tpu.vector_load %arg10[%swap3A_162, %swap3A_163] {strides = array<i32>} : memref<128x64xf32, #tpu.memory_space<vmem>>, vector<16xf32>,
      tpu.vector_store %arg10[%swap3A_162, %swap3A_163], %mul3A_161 {strides = array<i32>} : memref<128x64xf32, #tpu.memory_space<vmem>>, vector<16xf32>,
    }
    %scan3A_45 = arith.constant 64 : i32
    "tpu.region"() ({
      %run_scoped3A = tpu.sem_alloc : memref<!tpu.dma_semaphore, #tpu.memory_space<semaphore_mem>>
      %dma_start3A_46 = arith.constant 0 : i32
      %dma_start3A_47 = tpu.memref_slice %arg5[%mul3A_2, %dma_start3A_46] : memref<4096x64xf32, #tpu.memory_space<hbm>> -> memref<128x64xf32, #tpu.memory_space<hbm>>
      %dma_start3A_48 = arith.constant 0 : i32
      %dma_start3A_49 = tpu.memref_slice %arg5[%mul3A_2, %dma_start3A_48] : memref<4096x64xf32, #tpu.memory_space<hbm>> -> memref<128x64xf32, #tpu.memory_space<hbm>>
      tpu.enqueue_dma source(%arg10 : memref<128x64xf32, #tpu.memory_space<vmem>>) target(%dma_start3A_49 : memref<128x64xf32, #tpu.memory_space<hbm>>) target_semaphore(%run_scoped3A : memref<!tpu.dma_semaphore, #tpu.memory_space<semaphore_mem>>)
      %dma_wait3A = arith.constant 0 : i32
      %dma_wait3A_50 = tpu.memref_slice %arg5[%mul3A_2, %dma_wait3A] : memref<4096x64xf32, #tpu.memory_space<hbm>> -> memref<128x64xf32, #tpu.memory_space<hbm>>
      %dma_wait3A_51 = arith.constant 0 : i32
      %dma_wait3A_52 = tpu.memref_slice %arg5[%mul3A_2, %dma_wait3A_51] : memref<4096x64xf32, #tpu.memory_space<hbm>> -> memref<128x64xf32, #tpu.memory_space<hbm>>
      tpu.wait_dma2 semaphore(%run_scoped3A : memref<!tpu.dma_semaphore, #tpu.memory_space<semaphore_mem>>) src(%arg10 : memref<128x64xf32, #tpu.memory_space<vmem>>) dst(%dma_wait3A_52 : memref<128x64xf32, #tpu.memory_space<hbm>>)
      tpu.yield
    }) : () -> ()
    return
  }
}

module attributes {stable_mosaic.version = 14 : i64} {
  func.func @_repack_body(%arg0: i32, %arg1: memref<64x3072xf32, #tpu.memory_space<vmem>>, %arg2: memref<64x3072xf32, #tpu.memory_space<vmem>>, %arg3: memref<3072x128xf32, #tpu.memory_space<vmem>>) attributes {dimension_semantics = [#tpu.dimension_semantics<arbitrary>], iteration_bounds = array<i64: 163>, scalar_prefetch = 0 : i64, scratch_operands = 0 : i64, tpu.core_type = #tpu.core_type<tc>, window_params = [{transform_indices = @transform_0, window_bounds = array<i64: 64, 3072>}, {transform_indices = @transform_1, window_bounds = array<i64: 64, 3072>}, {transform_indices = @transform_2, window_bounds = array<i64: 3072, 128>}]} {
    %iota3A = tpu.iota {dimensions = array<i32: 0>} : vector<64x64xi32>
    %iota3A_0 = tpu.iota {dimensions = array<i32: 1>} : vector<64x64xi32>
    %eq3A = arith.cmpi eq, %iota3A, %iota3A_0 : vector<64x64xi32>
    %convert_element_type3A = arith.extui %eq3A : vector<64x64xi1> to vector<64x64xi32>
    %convert_element_type3A_1 = arith.sitofp %convert_element_type3A : vector<64x64xi32> to vector<64x64xf32>
    %get3A = arith.constant 0 : index
    %get3A_2 = arith.constant 0 : index
    %get3A_3 = vector.load %arg1[%get3A, %get3A_2] : memref<64x3072xf32, #tpu.memory_space<vmem>>, vector<64x3072xf32>
    %dot_general3A = arith.constant dense<0.000000e+00> : vector<3072x64xf32>
    %dot_general3A_4 = tpu.matmul %get3A_3, %convert_element_type3A_1, %dot_general3A {dimension_numbers = #tpu.dot_dimension_numbers<[0], [0], [1], [1], [0, 1, 1, 1], [], []>, transpose_lhs_hint = false} : vector<64x3072xf32>, vector<64x64xf32>, vector<3072x64xf32> -> vector<3072x64xf32>
    %get3A_5 = arith.constant 0 : index
    %get3A_6 = arith.constant 0 : index
    %get3A_7 = vector.load %arg2[%get3A_5, %get3A_6] : memref<64x3072xf32, #tpu.memory_space<vmem>>, vector<64x3072xf32>
    %dot_general3A_8 = arith.constant dense<0.000000e+00> : vector<3072x64xf32>
    %dot_general3A_9 = tpu.matmul %get3A_7, %convert_element_type3A_1, %dot_general3A_8 {dimension_numbers = #tpu.dot_dimension_numbers<[0], [0], [1], [1], [0, 1, 1, 1], [], []>, transpose_lhs_hint = false} : vector<64x3072xf32>, vector<64x64xf32>, vector<3072x64xf32> -> vector<3072x64xf32>
    %concatenate3A = tpu.concatenate %dot_general3A_4, %dot_general3A_9 in 1 : vector<3072x64xf32>, vector<3072x64xf32> -> vector<3072x128xf32>
    %swap3A = arith.constant 0 : index
    %swap3A_10 = arith.constant 0 : index
    %swap3A_11 = vector.load %arg3[%swap3A, %swap3A_10] : memref<3072x128xf32, #tpu.memory_space<vmem>>, vector<3072x128xf32>
    tpu.vector_store %arg3[%swap3A, %swap3A_10], %concatenate3A {strides = array<i32>} : memref<3072x128xf32, #tpu.memory_space<vmem>>, vector<3072x128xf32>,
    return
  }
  func.func @transform_0(%arg0: i32) -> (i32, i32) {
    %c0_i32 = arith.constant 0 : i32
    %c0_i32_0 = arith.constant 0 : i32
    return %c0_i32, %arg0 : i32, i32
  }
  func.func @transform_1(%arg0: i32) -> (i32, i32) {
    %add3A = arith.constant 163 : i32
    %add3A_0 = arith.addi %arg0, %add3A : i32
    %c0_i32 = arith.constant 0 : i32
    %c0_i32_1 = arith.constant 0 : i32
    return %c0_i32, %add3A_0 : i32, i32
  }
  func.func @transform_2(%arg0: i32) -> (i32, i32) {
    %c0_i32 = arith.constant 0 : i32
    %c0_i32_0 = arith.constant 0 : i32
    return %arg0, %c0_i32 : i32, i32
  }
}

module attributes {stable_mosaic.version = 14 : i64} {
  func.func @_dense_body(%arg0: i32, %arg1: memref<512x64xf32, #tpu.memory_space<vmem>>, %arg2: memref<64x128xf32, #tpu.memory_space<vmem>>, %arg3: memref<1x128xf32, #tpu.memory_space<vmem>>, %arg4: memref<128x100xf32, #tpu.memory_space<vmem>>, %arg5: memref<1x100xf32, #tpu.memory_space<vmem>>, %arg6: memref<512x100xf32, #tpu.memory_space<vmem>>) attributes {dimension_semantics = [#tpu.dimension_semantics<arbitrary>], iteration_bounds = array<i64: 8>, scalar_prefetch = 0 : i64, scratch_operands = 0 : i64, tpu.core_type = #tpu.core_type<tc>, window_params = [{transform_indices = @transform_0, window_bounds = array<i64: 512, 64>}, {pipeline_mode = #tpu.pipeline_mode<synchronous>, transform_indices = @transform_1, window_bounds = array<i64: 64, 128>}, {pipeline_mode = #tpu.pipeline_mode<synchronous>, transform_indices = @transform_2, window_bounds = array<i64: 1, 128>}, {pipeline_mode = #tpu.pipeline_mode<synchronous>, transform_indices = @transform_3, window_bounds = array<i64: 128, 100>}, {pipeline_mode = #tpu.pipeline_mode<synchronous>, transform_indices = @transform_4, window_bounds = array<i64: 1, 100>}, {transform_indices = @transform_5, window_bounds = array<i64: 512, 100>}]} {
    %get3A = arith.constant 0 : index
    %get3A_0 = arith.constant 0 : index
    %get3A_1 = vector.load %arg1[%get3A, %get3A_0] : memref<512x64xf32, #tpu.memory_space<vmem>>, vector<512x64xf32>
    %get3A_2 = arith.constant 0 : index
    %get3A_3 = arith.constant 0 : index
    %get3A_4 = vector.load %arg2[%get3A_2, %get3A_3] : memref<64x128xf32, #tpu.memory_space<vmem>>, vector<64x128xf32>
    %dot_general3A = arith.constant dense<0.000000e+00> : vector<512x128xf32>
    %dot_general3A_5 = tpu.matmul %get3A_1, %get3A_4, %dot_general3A {dimension_numbers = #tpu.dot_dimension_numbers<[1], [0], [0], [1], [0, 0, 1, 1], [], []>, transpose_lhs_hint = false} : vector<512x64xf32>, vector<64x128xf32>, vector<512x128xf32> -> vector<512x128xf32>
    %get3A_6 = arith.constant 0 : index
    %get3A_7 = arith.constant 0 : index
    %get3A_8 = vector.load %arg3[%get3A_6, %get3A_7] : memref<1x128xf32, #tpu.memory_space<vmem>>, vector<1x128xf32>
    %add3A = vector.broadcast %get3A_8 : vector<1x128xf32> to vector<512x128xf32>
    %add3A_9 = arith.addf %dot_general3A_5, %add3A : vector<512x128xf32>
    %max3A = arith.constant 0.000000e+00 : f32
    %max3A_10 = vector.broadcast %max3A : f32 to vector<512x128xf32>
    %max3A_11 = arith.maximumf %add3A_9, %max3A_10 : vector<512x128xf32>
    %get3A_12 = arith.constant 0 : index
    %get3A_13 = arith.constant 0 : index
    %get3A_14 = vector.load %arg4[%get3A_12, %get3A_13] : memref<128x100xf32, #tpu.memory_space<vmem>>, vector<128x100xf32>
    %dot_general3A_15 = arith.constant dense<0.000000e+00> : vector<512x100xf32>
    %dot_general3A_16 = tpu.matmul %max3A_11, %get3A_14, %dot_general3A_15 {dimension_numbers = #tpu.dot_dimension_numbers<[1], [0], [0], [1], [0, 0, 1, 1], [], []>, transpose_lhs_hint = false} : vector<512x128xf32>, vector<128x100xf32>, vector<512x100xf32> -> vector<512x100xf32>
    %get3A_17 = arith.constant 0 : index
    %get3A_18 = arith.constant 0 : index
    %get3A_19 = vector.load %arg5[%get3A_17, %get3A_18] : memref<1x100xf32, #tpu.memory_space<vmem>>, vector<1x100xf32>
    %add3A_20 = vector.broadcast %get3A_19 : vector<1x100xf32> to vector<512x100xf32>
    %add3A_21 = arith.addf %dot_general3A_16, %add3A_20 : vector<512x100xf32>
    %reduce_max3A = arith.constant dense<0xFF800000> : vector<512xf32>
    %reduce_max3A_22 = vector.multi_reduction <maximumf>, %add3A_21, %reduce_max3A [1] : vector<512x100xf32> to vector<512xf32>
    %broadcast_in_dim3A = vector.shape_cast %reduce_max3A_22 : vector<512xf32> to vector<512x1xf32>
    %sub3A = vector.broadcast %broadcast_in_dim3A : vector<512x1xf32> to vector<512x100xf32>
    %sub3A_23 = arith.subf %add3A_21, %sub3A : vector<512x100xf32>
    %exp3A = math.exp %sub3A_23 : vector<512x100xf32>
    %reduce_sum3A = arith.constant dense<0.000000e+00> : vector<512xf32>
    %reduce_sum3A_24 = vector.multi_reduction <add>, %exp3A, %reduce_sum3A [1] : vector<512x100xf32> to vector<512xf32>
    %broadcast_in_dim3A_25 = vector.shape_cast %reduce_sum3A_24 : vector<512xf32> to vector<512x1xf32>
    %div3A = vector.broadcast %broadcast_in_dim3A_25 : vector<512x1xf32> to vector<512x100xf32>
    %div3A_26 = arith.divf %exp3A, %div3A : vector<512x100xf32>
    %swap3A = arith.constant 0 : index
    %swap3A_27 = arith.constant 0 : index
    %swap3A_28 = vector.load %arg6[%swap3A, %swap3A_27] : memref<512x100xf32, #tpu.memory_space<vmem>>, vector<512x100xf32>
    tpu.vector_store %arg6[%swap3A, %swap3A_27], %div3A_26 {strides = array<i32>} : memref<512x100xf32, #tpu.memory_space<vmem>>, vector<512x100xf32>,
    return
  }
  func.func @transform_0(%arg0: i32) -> (i32, i32) {
    %c0_i32 = arith.constant 0 : i32
    %c0_i32_0 = arith.constant 0 : i32
    return %arg0, %c0_i32 : i32, i32
  }
  func.func @transform_1(%arg0: i32) -> (i32, i32) {
    %c0_i32 = arith.constant 0 : i32
    %c0_i32_0 = arith.constant 0 : i32
    %c0_i32_1 = arith.constant 0 : i32
    return %c0_i32, %c0_i32_0 : i32, i32
  }
  func.func @transform_2(%arg0: i32) -> (i32, i32) {
    %c0_i32 = arith.constant 0 : i32
    %c0_i32_0 = arith.constant 0 : i32
    %c0_i32_1 = arith.constant 0 : i32
    return %c0_i32, %c0_i32_0 : i32, i32
  }
  func.func @transform_3(%arg0: i32) -> (i32, i32) {
    %c0_i32 = arith.constant 0 : i32
    %c0_i32_0 = arith.constant 0 : i32
    %c0_i32_1 = arith.constant 0 : i32
    return %c0_i32, %c0_i32_0 : i32, i32
  }
  func.func @transform_4(%arg0: i32) -> (i32, i32) {
    %c0_i32 = arith.constant 0 : i32
    %c0_i32_0 = arith.constant 0 : i32
    %c0_i32_1 = arith.constant 0 : i32
    return %c0_i32, %c0_i32_0 : i32, i32
  }
  func.func @transform_5(%arg0: i32) -> (i32, i32) {
    %c0_i32 = arith.constant 0 : i32
    %c0_i32_0 = arith.constant 0 : i32
    return %arg0, %c0_i32 : i32, i32
  }
}

</mosaic_0001>

<sc_bundles>
// kernel: kernel.5.cloned.1.call-start
scs
__scs_entry_jumppad:
0x0: {  	(pc) =	sbr.rel $0x88, $3  }
0x1: {  	(tag) =	ssettag $0x0;
	lr =	simm.s32 $0x1  }
0x2: {  	[smem:$0x3F9B] =	sst lr;
	_ =	strace $0xD0000000  }
0x3: {  	_ = 	snop  }
0x4: {  	_ = 	snop  }
0x5: {  	_ = 	snop  }
0x6: {  	_ = 	snop  }
0x7: {  	_ = 	snop  }
__scs_overlays_trampoline_lowered:
0x8: {  	[smem:$0x3FAA] =	sst s0  }
0x9: {  	[smem:$0x3FAB] =	sst s1  }
0xa: {  	[smem:$0x3FAC] =	sst s2  }
0xb: {  	[smem:$0x3FAD] =	sst s3  }
0xc: {  	[smem:$0x3FAE] =	sst s4  }
0xd: {  	[smem:$0x3FAF] =	sst s5  }
0xe: {  	[smem:$0x3FB0] =	sst s6  }
0xf: {  	[smem:$0x3FB1] =	sst s7  }
0x10: {  	[smem:$0x3FB2] =	sst s8  }
0x11: {  	[smem:$0x3FB3] =	sst s9;
	s0 =	simm.s32 @!p0 $0x0  }
0x12: {  	s1 =	sld [smem:$0x3F99];
	s0 =	simm.s32 @p0 $0x1  }
0x13: {  	[smem:$0x3FB4] =	sst s0;
	s0 =	simm.s32 @!p1 $0x0  }
0x14: {  	s2 =	sld [smem:$0x3F98];
	s0 =	simm.s32 @p1 $0x1  }
0x15: {  	[smem:$0x3FB5] =	sst s0;
	s0 =	simm.s32 @!p2 $0x0  }
0x16: {  	s3 =	sld [smem:$0x3FDB];
	s0 =	simm.s32 @p2 $0x1  }
0x17: {  	s4 =	simm.s32 $0x1BF5;
	[smem:$0x3FB7] =	sst s0  }
0x18: {  	s0 =	sld [smem:$0x3F9A];
	_ =	swait.ge [sflag:s4], $0x0  }
0x19: {  	s7 =	sld [smem:$0x3F9B]  }
0x1a: {  	s8 =	sadd.s32 $0xFFFFE003, lr  }
0x1b: {  	s9 =	sadd.s32 $0xFFFFFEF7, lr;
	s5 =	simm.s32 $0xFFFFFFFF;
	p2 =	slt.u32 s8, $0xFFFFF086  }
0x1c: {  	p1 =	slt.u32 s9, $0xF7A;
	s5 =	simm.s32 @!p2 $0x0  }
0x1d: {  	s5 =	simm.s32 @p1 $0x1;
	p0 =	seq.s32 s7, s2  }
0x1e: {  	s7 =	smul.u32 @!p0 $0xF7A, s2;
	p2 =	seq.s32 @!p0 s5, $0x0  }
0x1f: {  	s9 =	smul.u32 $0xF7A, s1;
	s8 =	simm.s32 @!p0 $0x1BF5;
	p2 =	por !p2, p0  }
0x20: {  	[sflag:s8] =	ssyncset.s32 @!p0 $0xFFFFF086;
	s6 =	sadd.s32 @!p0 s3, s7;
	s7 =	simm.s32 @!p0 $0x108  }
0x21: {  	s3 =	sadd.s32 s3, s9;
	s6 =	sadd.s32 @!p0 $0x88, s6;
	s7 =	simm.s32 @p2 $0x1082  }
0x22: {  	[simem:s7], [sflag:s8] =	dma.local @!p0 [hbm:s6], $0xF7A  }
0x23: {  	s9 =	sor.u32 $0xD0000000, s2;
	s6 =	simm.s32 $0x108;
	_ =	swait.ge @!p0 [sflag:s8], $0x0  }
0x24: {  	s3 =	sadd.s32 $0x88, s3;
	s6 =	simm.s32 @!p1 $0x1082;
	[sflag:s4] =	ssyncset.s32 $0xFFFFF086  }
0x25: {  	[simem:s6], [sflag:s4] =	dma.local [hbm:s3], $0xF7A  }
0x26: {  	[smem:$0x3F9B] =	sst s1;
	(tag) =	ssettag s2;
	_ =	strace s9  }
0x27: {  	s1 =	sld [smem:$0x3FAB]  }
0x28: {  	s2 =	sld [smem:$0x3FAC]  }
0x29: {  	s4 =	sld [smem:$0x3FAE]  }
0x2a: {  	p0 =	seq.s32 s5, $0x0;
	s5 =	sld [smem:$0x3FAF]  }
0x2b: {  	s6 =	sld [smem:$0x3FB0]  }
0x2c: {  	s7 =	sld [smem:$0x3FB1]  }
0x2d: {  	s3 =	simm.s32 $0x108;
	s8 =	sld [smem:$0x3FB2]  }
0x2e: {  	s3 =	simm.s32 @!p0 $0x1082;
	s9 =	sld [smem:$0x3FB3]  }
0x2f: {  	lr =	sadd.s32 s0, s3;
	s0 =	sld [smem:$0x3FAA]  }
0x30: {  	s3 =	sld [smem:$0x3FAD]  }
0x31: {  	[smem:$0x3FB6] =	sst s10  }
0x32: {  	s10 =	sld [smem:$0x3FB4];
	_ =	sdelay $0x3  }
0x33: {  	p0 =	seq.s32 s10, $0x1;
	s10 =	sld [smem:$0x3FB6];
	_ =	sdelay $0x3  }
0x34: {  	[smem:$0x3FB6] =	sst s10  }
0x35: {  	s10 =	sld [smem:$0x3FB5];
	_ =	sdelay $0x3  }
0x36: {  	p1 =	seq.s32 s10, $0x1;
	s10 =	sld [smem:$0x3FB6];
	_ =	sdelay $0x3  }
0x37: {  	[smem:$0x3FB6] =	sst s10  }
0x38: {  	s10 =	sld [smem:$0x3FB7]  }
0x39: {  	_ = 	snop;
	(pc) =	sbr.ind lr, $3  }
0x3a: {  	_ = 	snop  }
0x3b: {  	_ = 	snop  }
0x3c: {  	p2 =	seq.s32 s10, $0x1;
	s10 =	sld [smem:$0x3FB6]  }
0x3d: {  	_ =	shalt  }
0x3e: {  	_ =	shalt  }
0x3f: {  	_ =	shalt  }
0x40: {  	_ =	shalt  }
0x41: {  	_ =	shalt  }
0x42: {  	_ =	shalt  }
0x43: {  	_ =	shalt  }
0x44: {  	_ =	shalt  }
0x45: {  	_ =	shalt  }
0x46: {  	_ =	shalt  }
0x47: {  	_ =	shalt  }
0x48: {  	_ =	shalt  }
0x49: {  	_ =	shalt  }
0x4a: {  	_ =	shalt  }
0x4b: {  	_ =	shalt  }
0x4c: {  	_ =	shalt  }
0x4d: {  	_ =	shalt  }
0x4e: {  	_ =	shalt  }
0x4f: {  	_ =	shalt  }
0x50: {  	_ =	shalt  }
0x51: {  	_ =	shalt  }
0x52: {  	_ =	shalt  }
0x53: {  	_ =	shalt  }
0x54: {  	_ =	shalt  }
0x55: {  	_ =	shalt  }
0x56: {  	_ =	shalt  }
0x57: {  	_ =	shalt  }
0x58: {  	_ =	shalt  }
0x59: {  	_ =	shalt  }
0x5a: {  	_ =	shalt  }
0x5b: {  	_ =	shalt  }
0x5c: {  	_ =	shalt  }
0x5d: {  	_ =	shalt  }
0x5e: {  	_ =	shalt  }
0x5f: {  	_ =	shalt  }
0x60: {  	_ =	shalt  }
0x61: {  	_ =	shalt  }
0x62: {  	_ =	shalt  }
0x63: {  	_ =	shalt  }
0x64: {  	_ =	shalt  }
0x65: {  	_ =	shalt  }
0x66: {  	_ =	shalt  }
0x67: {  	_ =	shalt  }
0x68: {  	_ =	shalt  }
0x69: {  	_ =	shalt  }
0x6a: {  	_ =	shalt  }
0x6b: {  	_ =	shalt  }
0x6c: {  	_ =	shalt  }
0x6d: {  	_ =	shalt  }
0x6e: {  	_ =	shalt  }
0x6f: {  	_ =	shalt  }
0x70: {  	_ =	shalt  }
0x71: {  	_ =	shalt  }
0x72: {  	_ =	shalt  }
0x73: {  	_ =	shalt  }
0x74: {  	_ =	shalt  }
0x75: {  	_ =	shalt  }
0x76: {  	_ =	shalt  }
0x77: {  	_ =	shalt  }
0x78: {  	_ =	shalt  }
0x79: {  	_ =	shalt  }
0x7a: {  	_ =	shalt  }
0x7b: {  	_ =	shalt  }
0x7c: {  	_ =	shalt  }
0x7d: {  	_ =	shalt  }
0x7e: {  	_ =	shalt  }
0x7f: {  	_ =	shalt  }
0x80: {  	_ =	shalt  }
0x81: {  	_ =	shalt  }
0x82: {  	_ =	shalt  }
0x83: {  	_ =	shalt  }
0x84: {  	_ =	shalt  }
0x85: {  	_ =	shalt  }
0x86: {  	_ =	shalt  }
0x87: {  	_ =	shalt  }
.Lfunc_end0:
.L_simem_size_0:
called_computation_lowered:
.L_overlay_start_0:
0x88: {  	s2 =	sld [smem:$0x3FD9]  }
0x89: {  	s3 =	sld [smem:$0x3FFE];
	_ =	sdelay $0x1  }
0x8a: {  	s1 =	srdreg.scid  }
0x8b: {  	s0 =	sand.u32 $0x1, s1  }
0x8c: {  	s16 =	sshll.u32 s0, $0xA;
	s2 =	sadd.s32 s3, s2  }
0x8d: {  	s2 =	sadd.s32 s2, s16  }
0x8e: {  	[smem:$0x3FC2] =	sst s2  }
0x8f: {  	_ = 	snop  }
0x90: {  	(tm) =	ssettm $0x1  }
0x91: {  	s17 =	sld [smem:$0x3FFB];
	_ =	sdelay $0x3  }
0x92: {  	_ =	strace s17  }
0x93: {  	s2 =	sld [smem:$0x3FFC];
	_ =	sdelay $0x3  }
0x94: {  	_ =	strace s2  }
0x95: {  	s2 =	sld [smem:$0x3FFD];
	_ =	sdelay $0x3  }
0x96: {  	_ =	strace s2  }
0x97: {  	_ =	strace $0x8FFFFFFF  }
0x98: {  	s18 =	sld [smem:$0x3FDB];
	_ =	sdelay $0x1  }
0x99: {  	s19 =	simm.s32 $_scs_section_size  }
0x9a: {  	s4 =	simm.s32 $_size__tile_overlayer_lowered;
	s5 =	simm.s32 $_tile_overlayer_lowered  }
0x9b: {  	s22 =	simm.s32 $0x1BFF;
	s21 =	sshll.u32 s5, $0x1;
	s2 =	sadd.s32 s19, s18  }
0x9c: {  	s6 =	simm.s32 $0x0;
	s20 =	sshll.u32 s4, $0x1;
	s4 =	sadd.s32 s21, s2  }
0x9d: {  	[timem:s6], [sflag:s22] =	dma.local [hbm:s4], s20  }
0x9e: {  	_ =	swait.ge [sflag:s22], s20  }
0x9f: {  	s3 =	ssub.s32 $0x0, s20;
	[sflag:s22] =	ssyncset.done $0x0  }
0xa0: {  	[sflag:s22] =	ssyncadd.s32 s3;
	_ =	sdelay $0x1  }
0xa1: {  	s23 =	simm.s32 $0x1B8B  }
0xa2: {  	_ =	swait.ge [sflag:s23], $0x1  }
0xa3: {  	[sflag:s23] =	ssyncset.done $0x0  }
0xa4: {  	s25 =	simm.s32 $0x1B8E;
	s24 =	sld [smem:$0x3FFE];
	[sflag:s23] =	ssyncadd.s32 $0xFFFFFFFF  }
0xa5: {  	s26 =	simm.s32 $execute0_lowered;
	[smem:$0x3FD2] =	sst s25  }
0xa6: {  	s4 =	sshll.u32 s26, $0x1;
	_ =	strace $0x80000046;
	[dreg:$0x1] =	wrdreg $0xFFFFFFFF  }
0xa7: {  	s28 =	simm.s32 $_size_execute0_lowered;
	s2 =	sadd.s32 s2, s4;
	[dreg:$0x0] =	wrdreg $0x0  }
0xa8: {  	s4 =	sshll.u32 s28, $0x1;
	[dreg:$0x2] =	wrdreg s2  }
0xa9: {  	[dreg:$0x3] =	wrdreg s4  }
0xaa: {  	[dreg:$0x4] =	wrdreg $0xC0  }
0xab: {  	_ =	task [dreg:s6], $0x5FFFF  }
0xac: {  	[dreg:$0x1] =	wrdreg $0xFFFFFFFF  }
0xad: {  	[dreg:$0x0] =	wrdreg $0x60  }
0xae: {  	[dreg:$0x2] =	wrdreg s24  }
0xaf: {  	[dreg:$0x3] =	wrdreg $0x9  }
0xb0: {  	_ =	task.clear_ibuf [dreg:s6], $0x4FFFF;
	_ =	strace $0x90000046  }
0xb1: {  	s29 =	simm.s32 $0x9;
	_ =	strace $0x80000048  }
0xb2: {  	_ =	swait.ge [sflag:s29], $0x1  }
0xb3: {  	[sflag:s29] =	ssyncadd.s32 $0xFFFFFFFF  }
0xb4: {  	_ =	strace $0x90000048  }
0xb5: {  	_ =	sfence  }
0xb6: {  	s30 =	sld [smem:$0x0];
	_ =	sdelay $0x2  }
0xb7: {  	s31 =	sshll.u32 s1, $0xD;
	s1 =	sshrl.u32 s1, $0x2  }
0xb8: {  	s3 =	sand.u32 $0x4000, s31;
	s1 =	sadd.s32 s1, s30  }
0xb9: {  	s0 =	sor.u32 s3, s0;
	s1 =	sshll.u32 s1, $0x11  }
0xba: {  	s0 =	sor.u32 s1, s0  }
0xbb: {  	s0 =	sadd.s32 $0x8F2B, s0  }
0xbc: {  	[sflag:s0] =	ssyncadd.remote.s32 $0x1  }
0xbd: {  	_ =	sfence.sel $0xFFFF  }
0xbe: {  	[dreg:$0x0] =	wrdreg $0xFFFFFFFF;
	(pc) =	sbr.abs _section_cstart, $3  }
0xbf: {  	[dreg:$0x1] =	wrdreg $0xFFFFFFFF  }
0xc0: {  	_ =	task.clear_ibuf [dreg:s6], $0x2FFFF;
	_ =	strace $0x9FFFFFFF  }
0xc1: {  	(tm) =	ssettm $0x7FFFFFFF  }
tec
execute0_lowered:
.L_overlay_start_1:
0x0: {  	(tag) =	ssettag $0x1  }
0x1: {  	s1 =	srdreg.scid;
	s0 =	stileid.u32  }
0x2: {  	s4 =	rddreg [dreg:$0x0];
	s2 =	simm.s32 $0x0;
	s9 =	simm.s32 $0x6400  }
0x3: {  	s10 =	simm.s32 $0x80;
	s11 =	simm.s32 $0xC800;
	s12 =	simm.s32 $0x48  }
0x4: {  	s13 =	simm.s32 $0x10800;
	s14 =	simm.s32 $0x12C00;
	s15 =	simm.s32 $0x148  }
0x5: {  	s16 =	simm.s32 $0x16C00;
	s17 =	simm.s32 $0x1;
	s18 =	simm.s32 $0x2  }
0x6: {  	s19 =	simm.s32 $0x19000;
	s3 =	sand.u32 $0x1, s1;
	s5 =	sshll.u32 s0, $0x1  }
0x7: {  	s20 =	simm.s32 $0x0;
	s1 =	rddreg [dreg:$0x1];
	s5 =	sor.u32 s3, s5  }
0x8: {  	[smem:$0x7FF] =	sst s2;
	s7 =	ssub.s32 $0x2, s3;
	s6 =	smul.u32 $0xC80, s5  }
0x9: {  	_ =	strace $0x80000047;
	s3 =	sadd.s32 $0x33000, s4;
	s31 =	sshrl.u32 s7, $0x1  }
0xa: {  	s5 =	sshll.u32 s5, $0xB;
	s7 =	ssub.s32 s7, s31;
	s6 =	sadd.s32 s6, s4  }
0xb: {  	v0 =	vlaneseq.u32;
	s8 =	sadd.s32 s5, s4;
	s7 =	smax.u32 s7, $0x1;
	s4 =	sadd.s32 $0x1A000, s6  }
0xc: {  	v1 =	vor.u32 $0x10, v0;
	v2 =	vor.u32 $0x20, v0;
	v3 =	vor.u32 $0x30, v0;
	s5 =	sadd.s32 $0x1000, s6;
	s6 =	sadd.s32 $0x7D7000, s8;
	s8 =	simm.s32 $0x3  }
.LBB2_1:
0xd: {  	[tilespmem:s2], [sflag:$0x3] =	stream.linear.gather [hbm4b:s4+s2], $0x6400, $0x38;
	[tilespmem:$0x1D000] =	vst v63  }
0xe: {  	_ =	swait.ge [sflag:s8], $0x6400  }
0xf: {  	[sflag:s8] =	ssyncset.done $0x0  }
0x10: {  	[sflag:s8] =	ssyncadd.s32 $0xFFFF9C00  }
0x11: {  	[tilespmem:s9], [sflag:$0x3] =	stream.linear.gather [hbm4b:s5+s2], $0x6400, $0x38;
	[tilespmem:$0x1D000] =	vst v63  }
0x12: {  	_ =	swait.ge [sflag:s8], $0x6400  }
0x13: {  	[sflag:s8] =	ssyncset.done $0x0  }
0x14: {  	[sflag:s8] =	ssyncadd.s32 $0xFFFF9C00  }
0x15: {  	[tilespmem:s11], [sflag:$0x1] =	stream.indirect.gather [hbm4b:s3+s10], $0x80, s2, s10, $0xb8;
	[tilespmem:$0x1D000] =	vst v63  }
0x16: {  	_ = 	snop  }
0x17: {  	[tilespmem:s13], [sflag:$0x1] =	stream.indirect.gather [hbm4b:s3+s12], $0x80, s10, s12, $0xb8;
	[tilespmem:$0x1D000] =	vst v63  }
0x18: {  	s21 =	simm.s32 $0xC8  }
0x19: {  	[tilespmem:s14], [sflag:$0x2] =	stream.indirect.gather [hbm4b:s3+s10], $0x80, s21, s10, $0xb8;
	[tilespmem:$0x1D000] =	vst v63  }
0x1a: {  	s22 =	simm.s32 $0x0;
	s23 =	simm.s32 $0x0  }
0x1b: {  	[tilespmem:s16], [sflag:$0x2] =	stream.indirect.gather [hbm4b:s3+s12], $0x80, s15, s12, $0xb8;
	[tilespmem:$0x1D000] =	vst v63  }
.LBB2_2:
0x1c: {  	_ =	swait.ge [sflag:s17], $0x4000;
	s24 =	sadd.s32 $0x0, s22  }
0x1d: {  	s30 =	sadd.s32 $0x1, s22;
	[sflag:s17] =	ssyncset.done $0x0;
	v4 =	vmov s24  }
0x1e: {  	s25 =	sadd.s32 $0x2, s22;
	v5 =	vmov s30;
	[sflag:s17] =	ssyncadd.s32 $0xFFFFC000  }
0x1f: {  	v11 =	vmov s25;
	_ =	swait.ge [sflag:s17], $0x2400  }
0x20: {  	[sflag:s17] =	ssyncset.done $0x0  }
0x21: {  	[sflag:s17] =	ssyncadd.s32 $0xFFFFDC00  }
0x22: {  	v4 =	vld.idx.msk [tilespmem:v4+s9+$0x0], $0xffff  }
0x23: {  	v5 =	vld.idx.msk [tilespmem:v5+s9+$0x0], $0xffff  }
0x24: {  	v11 =	vld.idx.msk [tilespmem:v11+s9+$0x0], $0xffff;
	_ =	sdelay $0x2  }
0x25: {  	v6 =	vadd.s32 v3, v4  }
0x26: {  	v7 =	vadd.s32 v0, v4;
	v8 =	vadd.s32 v1, v4;
	v4 =	vadd.s32 v2, v4  }
0x27: {  	v13 =	vadd.s32 v3, v5;
	v18 =	vadd.s32 v1, v11;
	v9 =	vand.u32 $0xFFFFFF80, v6  }
0x28: {  	v10 =	vand.u32 $0xFFFFFF80, v7;
	v6 =	vand.u32 $0x7F, v6;
	v7 =	vand.u32 $0x7F, v7  }
0x29: {  	s31 =	simm.s32 $0x0;
	s26 =	simm.s32 $0x80;
	v12 =	vand.u32 $0x7F, v4;
	v15 =	vand.u32 $0xFFFFFF80, v13;
	v13 =	vand.u32 $0x7F, v13  }
0x2a: {  	v9 =	vadd.s32 s31, v9;
	v10 =	vadd.s32 s31, v10;
	v15 =	vadd.s32 s26, v15  }
0x2b: {  	v6 =	vor.u32 v6, v9;
	v9 =	vand.u32 $0xFFFFFF80, v8;
	v7 =	vor.u32 v7, v10  }
0x2c: {  	v10 =	vand.u32 $0xFFFFFF80, v4;
	v8 =	vand.u32 $0x7F, v8;
	v9 =	vadd.s32 s31, v9  }
0x2d: {  	v13 =	vor.u32 v13, v15;
	v10 =	vadd.s32 s31, v10;
	v8 =	vor.u32 v8, v9  }
0x2e: {  	v9 =	vor.u32 v12, v10;
	v10 =	vadd.s32 v0, v5;
	v12 =	vadd.s32 v1, v5  }
0x2f: {  	v5 =	vadd.s32 v2, v5;
	v14 =	vand.u32 $0xFFFFFF80, v10;
	v16 =	vand.u32 $0xFFFFFF80, v12  }
0x30: {  	v17 =	vand.u32 $0xFFFFFF80, v5;
	v10 =	vand.u32 $0x7F, v10;
	v5 =	vand.u32 $0x7F, v5  }
0x31: {  	s30 =	sadd.s32 $0x3, s22;
	v14 =	vadd.s32 s26, v14;
	v15 =	vadd.s32 s26, v16;
	v16 =	vadd.s32 s26, v17;
	v7 =	vld.idx.msk [tilespmem:v7+s11+$0x0], $0xffff  }
0x32: {  	v10 =	vor.u32 v10, v14;
	v14 =	vor.u32 v5, v16;
	v16 =	vmov s30  }
0x33: {  	v20 =	vand.u32 $0xFFFFFF80, v18;
	v12 =	vand.u32 $0x7F, v12;
	v6 =	vld.idx.msk [tilespmem:v6+s11+$0x0], $0xffff  }
0x34: {  	v18 =	vand.u32 $0x7F, v18;
	v4 =	vimm.f32 $0.0e+00;
	s31 =	simm.s32 $0x100;
	v12 =	vor.u32 v12, v15;
	v13 =	vld.idx.msk [tilespmem:v13+s11+$0x0], $0xffff  }
0x35: {  	v20 =	vadd.s32 s31, v20;
	v17 =	vadd.s32 v0, v11;
	v15 =	vadd.s32 v3, v11;
	v9 =	vld.idx.msk [tilespmem:v9+s11+$0x0], $0xffff  }
0x36: {  	v19 =	vand.u32 $0xFFFFFF80, v17;
	v5 =	vadd.f32 v7, v4;
	v7 =	vld.idx.msk [tilespmem:v8+s11+$0x0], $0xffff;
	v8 =	vand.u32 $0xFFFFFF80, v15  }
0x37: {  	v63 =	vand.u32 $0x7F, v17;
	v15 =	vand.u32 $0x7F, v15;
	v17 =	vld.idx.msk [tilespmem:v16+s9+$0x0], $0xffff;
	v21 =	vadd.s32 s31, v8  }
0x38: {  	v11 =	vadd.s32 v2, v11;
	v19 =	vadd.s32 s31, v19;
	v8 =	vld.idx.msk [tilespmem:v10+s11+$0x0], $0xffff;
	v15 =	vor.u32 v15, v21  }
0x39: {  	v22 =	vand.u32 $0x7F, v11;
	v6 =	vadd.f32 v6, v4;
	v12 =	vld.idx.msk [tilespmem:v12+s11+$0x0], $0xffff;
	v10 =	vand.u32 $0xFFFFFF80, v11  }
0x3a: {  	s29 =	sadd.s32 $0x4, s22;
	s28 =	simm.s32 $0x5;
	v16 =	vor.u32 v63, v19;
	v11 =	vld.idx.msk [tilespmem:v14+s11+$0x0], $0xffff;
	v14 =	vor.u32 v18, v20;
	v10 =	vadd.s32 s31, v10  }
0x3b: {  	s24 =	smul.u32 $0x190, s23;
	s25 =	simm.s32 $0x4;
	s26 =	simm.s32 $0x3;
	v6 =	vadd.f32 v13, v6;
	v13 =	vor.u32 v22, v10;
	v10 =	vimm.f32 $0.0e+00  }
.LBB2_3:
0x3c: {  	p0 =	sne.s32 s28, $0xC7;
	v18 =	vmov s29;
	v4 =	vadd.f32 v7, v4;
	v10 =	vadd.f32 v9, v10  }
0x3d: {  	v5 =	vadd.f32 v8, v5;
	v19 =	vld.idx.msk [tilespmem:v15+s11+$0x0], $0xffff  }
0x3e: {  	v20 =	vadd.s32 v0, v17;
	v21 =	vadd.s32 v1, v17;
	v8 =	vadd.s32 v3, v17  }
0x3f: {  	s29 =	sshll.u32 s26, $0x7;
	s26 =	smov.u32 s25;
	s25 =	smov.u32 s28;
	v22 =	vadd.s32 v2, v17;
	v15 =	vand.u32 $0xFFFFFF80, v20;
	v17 =	vand.u32 $0xFFFFFF80, v8;
	v7 =	vmovc v12  }
.Ltmp0:
0x40: {  	v12 =	vand.u32 $0xFFFFFF80, v21;
	v23 =	vand.u32 $0x7F, v8;
	v24 =	vadd.s32 s29, v17;
	v9 =	vmovc v11;
	v8 =	vld.idx.msk [tilespmem:v16+s11+$0x0], $0xffff;
	(pc) =	sbr.rel @p0 .LBB2_3-.Ltmp0, $4  }
0x41: {  	v11 =	vand.u32 $0xFFFFFF80, v22;
	v16 =	vadd.s32 s29, v15;
	v15 =	vor.u32 v23, v24;
	v17 =	vld.idx.msk [tilespmem:v18+s9+$0x0], $0xffff  }
0x42: {  	v23 =	vadd.s32 s29, v11;
	v18 =	vand.u32 $0x7F, v20;
	v20 =	vadd.s32 s29, v12;
	v12 =	vld.idx.msk [tilespmem:v14+s11+$0x0], $0xffff  }
0x43: {  	v14 =	vand.u32 $0x7F, v21;
	v21 =	vand.u32 $0x7F, v22;
	v6 =	vadd.f32 v19, v6;
	v11 =	vld.idx.msk [tilespmem:v13+s11+$0x0], $0xffff  }
0x44: {  	s28 =	sadd.s32 $0x1, s28;
	s29 =	sadd.s32 s25, s22;
	v16 =	vor.u32 v18, v16;
	v14 =	vor.u32 v14, v20;
	v13 =	vor.u32 v21, v23  }
0x45: {  	v18 =	vmov s29;
	_ =	sdelay $0x3  }
0x46: {  	v19 =	vadd.s32 v0, v17;
	v20 =	vadd.s32 v1, v17;
	v21 =	vadd.s32 v3, v17  }
0x47: {  	v17 =	vadd.s32 v2, v17;
	v22 =	vand.u32 $0xFFFFFF80, v19;
	v23 =	vand.u32 $0xFFFFFF80, v21;
	v18 =	vld.idx.msk [tilespmem:v18+s9+$0x0], $0xffff  }
0x48: {  	v24 =	vand.u32 $0xFFFFFF80, v20;
	v21 =	vand.u32 $0x7F, v21;
	v25 =	vand.u32 $0xFFFFFF80, v17  }
0x49: {  	s26 =	sshll.u32 s26, $0x7;
	v19 =	vand.u32 $0x7F, v19;
	v20 =	vand.u32 $0x7F, v20;
	v17 =	vand.u32 $0x7F, v17  }
0x4a: {  	v23 =	vadd.s32 s26, v23;
	v22 =	vadd.s32 s26, v22;
	v51 =	vadd.s32 s26, v24  }
0x4b: {  	v52 =	vadd.s32 s26, v25;
	v21 =	vor.u32 v21, v23;
	v19 =	vor.u32 v19, v22  }
0x4c: {  	v20 =	vor.u32 v20, v51;
	v17 =	vor.u32 v17, v52;
	v53 =	vadd.s32 v0, v18  }
0x4d: {  	v15 =	vld.idx.msk [tilespmem:v15+s11+$0x0], $0xffff;
	v54 =	vadd.s32 v1, v18;
	v55 =	vadd.s32 v3, v18;
	v18 =	vadd.s32 v2, v18  }
0x4e: {  	s25 =	sshll.u32 s25, $0x7;
	v16 =	vld.idx.msk [tilespmem:v16+s11+$0x0], $0xffff;
	v56 =	vand.u32 $0xFFFFFF80, v53;
	v26 =	vand.u32 $0xFFFFFF80, v54;
	v22 =	vand.u32 $0x7F, v53  }
0x4f: {  	v14 =	vld.idx.msk [tilespmem:v14+s11+$0x0], $0xffff;
	v23 =	vand.u32 $0x7F, v54;
	v57 =	vand.u32 $0xFFFFFF80, v18;
	v25 =	vadd.s32 s25, v56  }
0x50: {  	v13 =	vld.idx.msk [tilespmem:v13+s11+$0x0], $0xffff;
	v58 =	vand.u32 $0xFFFFFF80, v55;
	v26 =	vadd.s32 s25, v26;
	v22 =	vor.u32 v22, v25  }
0x51: {  	v21 =	vld.idx.msk [tilespmem:v21+s11+$0x0], $0xffff;
	v18 =	vand.u32 $0x7F, v18;
	v23 =	vor.u32 v23, v26;
	v25 =	vadd.s32 s25, v57  }
0x52: {  	v19 =	vld.idx.msk [tilespmem:v19+s11+$0x0], $0xffff;
	v24 =	vand.u32 $0x7F, v55;
	v59 =	vadd.s32 s25, v58;
	v18 =	vor.u32 v18, v25  }
0x53: {  	v4 =	vadd.f32 v7, v4;
	v20 =	vld.idx.msk [tilespmem:v20+s11+$0x0], $0xffff;
	v7 =	vor.u32 v24, v59  }
0x54: {  	v9 =	vadd.f32 v9, v10;
	v5 =	vadd.f32 v8, v5;
	v8 =	vld.idx.msk [tilespmem:v17+s11+$0x0], $0xffff  }
0x55: {  	v4 =	vadd.f32 v12, v4;
	v10 =	vld.idx.msk [tilespmem:v22+s11+$0x0], $0xffff  }
0x56: {  	v9 =	vadd.f32 v11, v9;
	v5 =	vadd.f32 v16, v5;
	v11 =	vld.idx.msk [tilespmem:v23+s11+$0x0], $0xffff  }
0x57: {  	p0 =	seq.s32 s23, $0x3F;
	v4 =	vadd.f32 v14, v4;
	v12 =	vld.idx.msk [tilespmem:v18+s11+$0x0], $0xffff  }
0x58: {  	s28 =	simm.s32 @!p0 $0xC800;
	s26 =	simm.s32 @!p0 $0x80;
	v9 =	vadd.f32 v13, v9;
	s25 =	sadd.s32 @!p0 $0x190, s24;
	v5 =	vadd.f32 v19, v5;
	v7 =	vld.idx.msk [tilespmem:v7+s11+$0x0], $0xffff  }
0x59: {  	v6 =	vadd.f32 v15, v6;
	v4 =	vadd.f32 v20, v4;
	[tilespmem:s28], [sflag:$0x1] =	stream.indirect.gather @!p0 [hbm4b:s3+s26], $0x80, s25, s26, $0xb8;
	[tilespmem:$0x1D000] =	vst v63  }
0x5a: {  	v8 =	vadd.f32 v8, v9;
	s25 =	sadd.s32 @!p0 $0x210, s24;
	s26 =	simm.s32 @!p0 $0x48;
	s28 =	simm.s32 @!p0 $0x10800;
	v5 =	vadd.f32 v10, v5  }
0x5b: {  	v6 =	vadd.f32 v21, v6;
	[tilespmem:s28], [sflag:$0x1] =	stream.indirect.gather @!p0 [hbm4b:s3+s26], $0x80, s25, s26, $0xb8;
	v4 =	vadd.f32 v11, v4;
	[tilespmem:$0x1D000] =	vst v63  }
0x5c: {  	s26 =	sshll.u32 s23, $0x8;
	v8 =	vadd.f32 v12, v8;
	v5 =	vmul.f32 $4.999999890e-03, v5  }
0x5d: {  	s25 =	sand.u32 $0x3FFFFF00, s26;
	v6 =	vadd.f32 v7, v6;
	v4 =	vmul.f32 $4.999999890e-03, v4  }
0x5e: {  	[tilespmem:s25+$0x19000] =	vst v5;
	v5 =	vmul.f32 $4.999999890e-03, v8  }
0x5f: {  	[tilespmem:s25+$0x19010] =	vst v4;
	v4 =	vmul.f32 $4.999999890e-03, v6  }
0x60: {  	[tilespmem:s25+$0x19020] =	vst v5  }
0x61: {  	[tilespmem:s25+$0x19030] =	vst v4  }
0x62: {  	s31 =	sadd.s32 $0x0, s21;
	_ =	swait.ge [sflag:s18], $0x4000  }
0x63: {  	s26 =	sadd.s32 $0x1, s21;
	v4 =	vmov s31;
	[sflag:s18] =	ssyncset.done $0x0  }
0x64: {  	v5 =	vmov s26;
	s31 =	sadd.s32 $0x2, s21;
	[sflag:s18] =	ssyncadd.s32 $0xFFFFC000  }
0x65: {  	v11 =	vmov s31;
	_ =	swait.ge [sflag:s18], $0x2400  }
0x66: {  	[sflag:s18] =	ssyncset.done $0x0  }
0x67: {  	[sflag:s18] =	ssyncadd.s32 $0xFFFFDC00  }
0x68: {  	v4 =	vld.idx.msk [tilespmem:v4+s9+$0x0], $0xffff  }
0x69: {  	v5 =	vld.idx.msk [tilespmem:v5+s9+$0x0], $0xffff  }
0x6a: {  	v11 =	vld.idx.msk [tilespmem:v11+s9+$0x0], $0xffff;
	_ =	sdelay $0x2  }
0x6b: {  	v6 =	vadd.s32 v3, v4  }
0x6c: {  	v7 =	vadd.s32 v0, v4;
	v8 =	vadd.s32 v1, v4;
	v4 =	vadd.s32 v2, v4  }
0x6d: {  	v13 =	vadd.s32 v3, v5;
	v18 =	vadd.s32 v1, v11;
	v9 =	vand.u32 $0xFFFFFF80, v6  }
0x6e: {  	v10 =	vand.u32 $0xFFFFFF80, v7;
	v6 =	vand.u32 $0x7F, v6;
	v7 =	vand.u32 $0x7F, v7  }
0x6f: {  	s25 =	simm.s32 $0x0;
	s26 =	simm.s32 $0x80;
	v12 =	vand.u32 $0x7F, v4;
	v15 =	vand.u32 $0xFFFFFF80, v13;
	v13 =	vand.u32 $0x7F, v13  }
0x70: {  	v9 =	vadd.s32 s25, v9;
	v10 =	vadd.s32 s25, v10;
	v15 =	vadd.s32 s26, v15  }
0x71: {  	v6 =	vor.u32 v6, v9;
	v9 =	vand.u32 $0xFFFFFF80, v8;
	v7 =	vor.u32 v7, v10  }
0x72: {  	v10 =	vand.u32 $0xFFFFFF80, v4;
	v8 =	vand.u32 $0x7F, v8;
	v9 =	vadd.s32 s25, v9  }
0x73: {  	v13 =	vor.u32 v13, v15;
	v10 =	vadd.s32 s25, v10;
	v8 =	vor.u32 v8, v9  }
0x74: {  	v9 =	vor.u32 v12, v10;
	v10 =	vadd.s32 v0, v5;
	v12 =	vadd.s32 v1, v5  }
0x75: {  	v5 =	vadd.s32 v2, v5;
	v14 =	vand.u32 $0xFFFFFF80, v10;
	v16 =	vand.u32 $0xFFFFFF80, v12  }
0x76: {  	v17 =	vand.u32 $0xFFFFFF80, v5;
	v10 =	vand.u32 $0x7F, v10;
	v5 =	vand.u32 $0x7F, v5  }
0x77: {  	s31 =	sadd.s32 $0x3, s21;
	v14 =	vadd.s32 s26, v14;
	v15 =	vadd.s32 s26, v16;
	v16 =	vadd.s32 s26, v17;
	v7 =	vld.idx.msk [tilespmem:v7+s14+$0x0], $0xffff  }
0x78: {  	v10 =	vor.u32 v10, v14;
	v14 =	vor.u32 v5, v16;
	v16 =	vmov s31  }
0x79: {  	v60 =	vand.u32 $0xFFFFFF80, v18;
	v12 =	vand.u32 $0x7F, v12;
	v6 =	vld.idx.msk [tilespmem:v6+s14+$0x0], $0xffff  }
0x7a: {  	v18 =	vand.u32 $0x7F, v18;
	v17 =	vadd.s32 v0, v11;
	v12 =	vor.u32 v12, v15;
	v13 =	vld.idx.msk [tilespmem:v13+s14+$0x0], $0xffff  }
0x7b: {  	v4 =	vimm.f32 $0.0e+00;
	v15 =	vadd.s32 v3, v11;
	v19 =	vand.u32 $0xFFFFFF80, v17;
	v9 =	vld.idx.msk [tilespmem:v9+s14+$0x0], $0xffff  }
0x7c: {  	s26 =	simm.s32 $0x100;
	v11 =	vadd.s32 v2, v11;
	v5 =	vadd.f32 v7, v4;
	v7 =	vld.idx.msk [tilespmem:v8+s14+$0x0], $0xffff;
	v8 =	vand.u32 $0xFFFFFF80, v15  }
0x7d: {  	v62 =	vand.u32 $0x7F, v17;
	v15 =	vand.u32 $0x7F, v15;
	v17 =	vld.idx.msk [tilespmem:v16+s9+$0x0], $0xffff;
	v61 =	vadd.s32 s26, v8  }
0x7e: {  	v20 =	vadd.s32 s26, v60;
	v19 =	vadd.s32 s26, v19;
	v8 =	vld.idx.msk [tilespmem:v10+s14+$0x0], $0xffff;
	v15 =	vor.u32 v15, v61  }
0x7f: {  	v63 =	vand.u32 $0x7F, v11;
	v6 =	vadd.f32 v6, v4;
	v12 =	vld.idx.msk [tilespmem:v12+s14+$0x0], $0xffff;
	v10 =	vand.u32 $0xFFFFFF80, v11  }
0x80: {  	s30 =	sadd.s32 $0x4, s21;
	s29 =	simm.s32 $0x5;
	s31 =	sshll.u32 s23, $0x1;
	v16 =	vor.u32 v62, v19;
	v11 =	vld.idx.msk [tilespmem:v14+s14+$0x0], $0xffff;
	v14 =	vor.u32 v18, v20;
	v10 =	vadd.s32 s26, v10  }
0x81: {  	s28 =	simm.s32 $0x3;
	s25 =	sor.u32 $0x1, s31;
	v6 =	vadd.f32 v13, v6;
	s26 =	simm.s32 $0x4;
	v13 =	vor.u32 v63, v10;
	v10 =	vimm.f32 $0.0e+00  }
.LBB2_5:
0x82: {  	p1 =	sne.s32 s29, $0xC7;
	v18 =	vmov s30;
	v4 =	vadd.f32 v7, v4;
	v10 =	vadd.f32 v9, v10  }
0x83: {  	v5 =	vadd.f32 v8, v5;
	v19 =	vld.idx.msk [tilespmem:v15+s14+$0x0], $0xffff  }
0x84: {  	v20 =	vadd.s32 v0, v17;
	v21 =	vadd.s32 v1, v17;
	v8 =	vadd.s32 v3, v17  }
0x85: {  	s30 =	sshll.u32 s28, $0x7;
	s28 =	smov.u32 s26;
	s26 =	smov.u32 s29;
	v22 =	vadd.s32 v2, v17;
	v15 =	vand.u32 $0xFFFFFF80, v20;
	v17 =	vand.u32 $0xFFFFFF80, v8;
	v7 =	vmovc v12  }
.Ltmp1:
0x86: {  	v12 =	vand.u32 $0xFFFFFF80, v21;
	v23 =	vand.u32 $0x7F, v8;
	v24 =	vadd.s32 s30, v17;
	v9 =	vmovc v11;
	v8 =	vld.idx.msk [tilespmem:v16+s14+$0x0], $0xffff;
	(pc) =	sbr.rel @p1 .LBB2_5-.Ltmp1, $4  }
0x87: {  	v11 =	vand.u32 $0xFFFFFF80, v22;
	v16 =	vadd.s32 s30, v15;
	v15 =	vor.u32 v23, v24;
	v17 =	vld.idx.msk [tilespmem:v18+s9+$0x0], $0xffff  }
0x88: {  	v23 =	vadd.s32 s30, v11;
	v18 =	vand.u32 $0x7F, v20;
	v20 =	vadd.s32 s30, v12;
	v12 =	vld.idx.msk [tilespmem:v14+s14+$0x0], $0xffff  }
0x89: {  	v14 =	vand.u32 $0x7F, v21;
	v21 =	vand.u32 $0x7F, v22;
	v6 =	vadd.f32 v19, v6;
	v11 =	vld.idx.msk [tilespmem:v13+s14+$0x0], $0xffff  }
0x8a: {  	s29 =	sadd.s32 $0x1, s29;
	s30 =	sadd.s32 s26, s21;
	v16 =	vor.u32 v18, v16;
	v14 =	vor.u32 v14, v20;
	v13 =	vor.u32 v21, v23  }
0x8b: {  	v18 =	vmov s30;
	_ =	sdelay $0x3  }
0x8c: {  	v19 =	vadd.s32 v0, v17;
	v20 =	vadd.s32 v1, v17;
	v21 =	vadd.s32 v3, v17  }
0x8d: {  	v49 =	vadd.s32 v2, v17;
	v22 =	vand.u32 $0xFFFFFF80, v19;
	v23 =	vand.u32 $0xFFFFFF80, v21;
	v18 =	vld.idx.msk [tilespmem:v18+s9+$0x0], $0xffff  }
0x8e: {  	v24 =	vand.u32 $0xFFFFFF80, v20;
	v21 =	vand.u32 $0x7F, v21;
	v25 =	vand.u32 $0xFFFFFF80, v49  }
0x8f: {  	s28 =	sshll.u32 s28, $0x7;
	v19 =	vand.u32 $0x7F, v19;
	v20 =	vand.u32 $0x7F, v20;
	v17 =	vand.u32 $0x7F, v49  }
0x90: {  	v23 =	vadd.s32 s28, v23;
	v22 =	vadd.s32 s28, v22;
	v50 =	vadd.s32 s28, v24  }
0x91: {  	v51 =	vadd.s32 s28, v25;
	v21 =	vor.u32 v21, v23;
	v19 =	vor.u32 v19, v22  }
0x92: {  	v20 =	vor.u32 v20, v50;
	v17 =	vor.u32 v17, v51;
	v52 =	vadd.s32 v0, v18  }
0x93: {  	v15 =	vld.idx.msk [tilespmem:v15+s14+$0x0], $0xffff;
	v53 =	vadd.s32 v1, v18;
	v54 =	vadd.s32 v3, v18;
	v18 =	vadd.s32 v2, v18  }
0x94: {  	s26 =	sshll.u32 s26, $0x7;
	v16 =	vld.idx.msk [tilespmem:v16+s14+$0x0], $0xffff;
	v55 =	vand.u32 $0xFFFFFF80, v52;
	v26 =	vand.u32 $0xFFFFFF80, v53;
	v22 =	vand.u32 $0x7F, v52  }
0x95: {  	v14 =	vld.idx.msk [tilespmem:v14+s14+$0x0], $0xffff;
	v23 =	vand.u32 $0x7F, v53;
	v56 =	vand.u32 $0xFFFFFF80, v18;
	v25 =	vadd.s32 s26, v55  }
0x96: {  	v13 =	vld.idx.msk [tilespmem:v13+s14+$0x0], $0xffff;
	v57 =	vand.u32 $0xFFFFFF80, v54;
	v26 =	vadd.s32 s26, v26;
	v22 =	vor.u32 v22, v25  }
0x97: {  	v21 =	vld.idx.msk [tilespmem:v21+s14+$0x0], $0xffff;
	v18 =	vand.u32 $0x7F, v18;
	v23 =	vor.u32 v23, v26;
	v25 =	vadd.s32 s26, v56  }
0x98: {  	v19 =	vld.idx.msk [tilespmem:v19+s14+$0x0], $0xffff;
	v24 =	vand.u32 $0x7F, v54;
	v58 =	vadd.s32 s26, v57;
	v18 =	vor.u32 v18, v25  }
0x99: {  	v4 =	vadd.f32 v7, v4;
	v20 =	vld.idx.msk [tilespmem:v20+s14+$0x0], $0xffff;
	v59 =	vor.u32 v24, v58  }
0x9a: {  	v9 =	vadd.f32 v9, v10;
	v5 =	vadd.f32 v8, v5;
	v60 =	vld.idx.msk [tilespmem:v17+s14+$0x0], $0xffff  }
0x9b: {  	v4 =	vadd.f32 v12, v4;
	v61 =	vld.idx.msk [tilespmem:v22+s14+$0x0], $0xffff  }
0x9c: {  	v9 =	vadd.f32 v11, v9;
	v5 =	vadd.f32 v16, v5;
	v62 =	vld.idx.msk [tilespmem:v23+s14+$0x0], $0xffff  }
0x9d: {  	s29 =	simm.s32 @!p0 $0x12C00;
	v4 =	vadd.f32 v14, v4;
	v63 =	vld.idx.msk [tilespmem:v18+s14+$0x0], $0xffff  }
0x9e: {  	s23 =	sadd.s32 $0x1, s23;
	s28 =	simm.s32 @!p0 $0x80;
	v9 =	vadd.f32 v13, v9;
	s26 =	sadd.s32 @!p0 $0x258, s24;
	v5 =	vadd.f32 v19, v5;
	v7 =	vld.idx.msk [tilespmem:v59+s14+$0x0], $0xffff  }
0x9f: {  	v6 =	vadd.f32 v15, v6;
	v4 =	vadd.f32 v20, v4;
	[tilespmem:s29], [sflag:$0x2] =	stream.indirect.gather @!p0 [hbm4b:s3+s28], $0x80, s26, s28, $0xb8;
	[tilespmem:$0x1D000] =	vst v63  }
0xa0: {  	s24 =	sadd.s32 @!p0 $0x2D8, s24;
	v8 =	vadd.f32 v60, v9;
	s26 =	simm.s32 @!p0 $0x48;
	s28 =	simm.s32 @!p0 $0x16C00;
	v5 =	vadd.f32 v61, v5  }
0xa1: {  	v6 =	vadd.f32 v21, v6;
	[tilespmem:s28], [sflag:$0x2] =	stream.indirect.gather @!p0 [hbm4b:s3+s26], $0x80, s24, s26, $0xb8;
	v4 =	vadd.f32 v62, v4;
	[tilespmem:$0x1D000] =	vst v63  }
0xa2: {  	s31 =	sshll.u32 s25, $0x7;
	p0 =	sne.s32 s23, $0x40;
	v8 =	vadd.f32 v63, v8;
	v5 =	vmul.f32 $4.999999890e-03, v5  }
.Ltmp2:
0xa3: {  	s24 =	sand.u32 $0x3FFFFF80, s31;
	v6 =	vadd.f32 v7, v6;
	v4 =	vmul.f32 $4.999999890e-03, v4;
	(pc) =	sbr.rel @p0 .LBB2_2-.Ltmp2, $4  }
0xa4: {  	[tilespmem:s24+$0x19000] =	vst v5;
	v5 =	vmul.f32 $4.999999890e-03, v8  }
0xa5: {  	[tilespmem:s24+$0x19010] =	vst v4;
	v4 =	vmul.f32 $4.999999890e-03, v6  }
0xa6: {  	[tilespmem:s24+$0x19020] =	vst v5  }
0xa7: {  	s22 =	sadd.s32 $0x190, s22;
	s21 =	sadd.s32 $0x190, s21;
	[tilespmem:s24+$0x19030] =	vst v4  }
0xa8: {  	s20 =	sadd.s32 $0x1, s20  }
0xa9: {  	p0 =	sne.s32 s20, s7  }
.Ltmp3:
0xaa: {  	_ = 	snop;
	(pc) =	sbr.rel @p0 .LBB2_1-.Ltmp3, $4  }
0xab: {  	[hbm4b:s6+s2] =	stream.linear.scatter [tilespmem:s19], [sflag:$0x3], $0x4000, $0x38;
	[tilespmem:$0x1D000] =	vst v63  }
0xac: {  	_ =	swait.ge [sflag:s8], $0x4000  }
0xad: {  	[sflag:s8] =	ssyncset.done $0x0  }
0xae: {  	[sflag:s8] =	ssyncadd.s32 $0xFFFFC000  }
0xaf: {  	_ =	sfence.sel $0x180000  }
0xb0: {  	[bflag:$0x0] =	sbarrier.arrive $0xFFFF  }
0xb1: {  	p0 =	sne.s32 s0, $0x0;
	_ =	strace $0x90000047  }
0xb2: {  	s0 =	sadd.s32 @!p0 $0x100000, s1;
	[bflag:$0x2] =	sbarrier.arrive $0xFFFF  }
0xb3: {  	[sflag:s0] =	ssyncadd.tile.s32 @!p0 $0x1;
	_ =	shalt  }
.Lfunc_end2:
_tile_overlayer_lowered:
.L_overlay_start_2:
0xb4: {  	(tag) =	ssettag $0x2  }
0xb5: {  	s0 =	rddreg [dreg:$0x0];
	s2 =	stileid.u32  }
0xb6: {  	s1 =	rddreg [dreg:$0x1];
	p0 =	sne.s32 s2, $0x0  }
0xb7: {  	s3 =	rddreg [dreg:$0x2];
	[bflag:$0x3] =	sbarrier.arrive $0xFFFF;
	s2 =	simm.s32 @!p0 $0x1C03  }
0xb8: {  	[timem:s3], [sflag:s2] =	dma.local @!p0 [hbm:s0], s1  }
0xb9: {  	s0 =	simm.s32 @!p0 $0x3  }
0xba: {  	_ =	swait.ge @!p0 [sflag:s0], s1  }
0xbb: {  	s1 =	ssub.s32 @!p0 $0x0, s1;
	[sflag:s0] =	ssyncset.done @!p0 $0x0  }
0xbc: {  	[sflag:s0] =	ssyncadd.s32 @!p0 s1  }
0xbd: {  	[bflag:$0x3] =	sbarrier.arrive $0xFFFF  }
0xbe: {  	_ =	shalt  }

</sc_bundles>
